<compile_context>
chip_gen: v7x
topology: tpu7x:2x2x1
jax: 0.10.2.dev20260603
libtpu: 0.0.44.dev20260713+nightly
codegen_flags: <defaults>
</compile_context>

<pallas_src>
import dataclasses
import functools

import jax
import jax.numpy as jnp
from jax import lax
from jax.experimental import pallas as pl
from jax.experimental.pallas import tpu as pltpu
from jax.experimental.pallas import tpu_sc as plsc

N = 10000
NP = 10240
E = 320000
D = 128

NC = 2
NS = 16
NW = NC * NS
EPW = E // NW
K = 40
NCHUNK = EPW // K
NPH = 5
CPP = NCHUNK // NPH
NBUF = 5
RPW = NP // NS

_mesh = plsc.VectorSubcoreMesh(core_axis_name="c", subcore_axis_name="s",
                               num_cores=NC, num_subcores=NS)

_cp = pltpu.CompilerParams()
if "needs_layout_passes" in pltpu.CompilerParams.__dataclass_fields__:
    _cp = dataclasses.replace(_cp, needs_layout_passes=False)


def _wid():
    return lax.axis_index("s") * NC + lax.axis_index("c")


@functools.partial(
    pl.kernel,
    out_type=jax.ShapeDtypeStruct((NW, NP), jnp.float32),
    mesh=_mesh,
    scratch_types=[
        pltpu.VMEM((EPW,), jnp.int32),
        pltpu.VMEM((NP,), jnp.float32),
    ],
    compiler_params=_cp,
)
def _deg(dst_hbm, dp_hbm, idx_v, deg_v):
    wid = _wid()
    zero16 = jnp.zeros((16,), jnp.float32)
    one16 = jnp.ones((16,), jnp.float32)

    @pl.loop(0, NP, step=16)
    def _(i):
        deg_v[pl.ds(i, 16)] = zero16

    pltpu.sync_copy(dst_hbm.at[pl.ds(wid * EPW, EPW)], idx_v)

    @pl.loop(0, EPW, step=16)
    def _(j):
        iv = idx_v[pl.ds(j, 16)]
        plsc.addupdate_scatter(deg_v, [iv], one16)

    pltpu.sync_copy(deg_v, dp_hbm.at[wid])


@functools.partial(
    pl.kernel,
    out_type=jax.ShapeDtypeStruct((NC, NP, D), jnp.float32),
    mesh=_mesh,
    scratch_types=[
        pltpu.VMEM((CPP, K), jnp.int32),
        pltpu.VMEM((CPP, K), jnp.int32),
    ] + [pltpu.VMEM((K, D), jnp.float32)] * NBUF
      + [pltpu.SemaphoreType.DMA] * NBUF
      + [pltpu.VMEM_SHARED((NP, D), jnp.float32)],
)
def _conv(g_hbm, zeros_hbm, src4_hbm, dst4_hbm, p_hbm, sidx_v, didx_v,
          *rest):
    bufs = rest[:NBUF]
    sems = rest[NBUF:2 * NBUF]
    acc = rest[2 * NBUF]
    c = lax.axis_index("c")
    s = lax.axis_index("s")
    wid = _wid()

    @pl.when(c == 0)
    def _():
        pltpu.sync_copy(g_hbm.at[pl.ds(s * RPW, RPW)],
                        acc.at[pl.ds(s * RPW, RPW)])

    @pl.when(c == 1)
    def _():
        pltpu.sync_copy(zeros_hbm.at[pl.ds(s * RPW, RPW)],
                        acc.at[pl.ds(s * RPW, RPW)])

    plsc.subcore_barrier()

    @pl.loop(0, NPH)
    def _(t):
        pltpu.sync_copy(src4_hbm.at[wid, t], sidx_v)
        pltpu.sync_copy(dst4_hbm.at[wid, t], didx_v)
        for b in range(NBUF - 1):
            pltpu.async_copy(g_hbm.at[sidx_v.at[b]], bufs[b], sems[b])

        @pl.loop(0, CPP // NBUF)
        def _(g):
            j0 = g * NBUF
            for b in range(NBUF):
                j = j0 + b
                pltpu.make_async_copy(
                    g_hbm.at[sidx_v.at[j]], bufs[b], sems[b]).wait()
                nxt = j + NBUF - 1

                @pl.when(nxt < CPP)
                def _(b=b, nxt=nxt):
                    pltpu.async_copy(
                        g_hbm.at[sidx_v.at[nxt]],
                        bufs[(b - 1) % NBUF], sems[(b - 1) % NBUF])

                pltpu.sync_copy(bufs[b], acc.at[didx_v.at[j]], add=True)

    plsc.subcore_barrier()
    pltpu.sync_copy(acc.at[pl.ds(s * RPW, RPW)],
                    p_hbm.at[c, pl.ds(s * RPW, RPW)])


@functools.partial(
    pl.kernel,
    out_type=jax.ShapeDtypeStruct((E,), jnp.float32),
    mesh=_mesh,
    scratch_types=[
        pltpu.VMEM((NP,), jnp.float32),
        pltpu.VMEM((NP,), jnp.float32),
        pltpu.VMEM((EPW,), jnp.int32),
        pltpu.VMEM((EPW,), jnp.int32),
        pltpu.VMEM((EPW,), jnp.float32),
    ],
    compiler_params=_cp,
)
def _escore(sa_hbm, sb_hbm, src_hbm, dst_hbm, out_hbm, sa_v, sb_v, src_v,
            dst_v, out_v):
    wid = _wid()
    base = wid * EPW
    pltpu.sync_copy(sa_hbm, sa_v)
    pltpu.sync_copy(sb_hbm, sb_v)
    pltpu.sync_copy(src_hbm.at[pl.ds(base, EPW)], src_v)
    pltpu.sync_copy(dst_hbm.at[pl.ds(base, EPW)], dst_v)

    @pl.loop(0, EPW, step=16)
    def _(j):
        iv_s = src_v[pl.ds(j, 16)]
        iv_d = dst_v[pl.ds(j, 16)]
        va = plsc.load_gather(sa_v, [iv_s])
        vb = plsc.load_gather(sb_v, [iv_d])
        out_v[pl.ds(j, 16)] = va + vb

    pltpu.sync_copy(out_v, out_hbm.at[pl.ds(base, EPW)])


_BLK = 1024
_NBLK = NP // _BLK


def _tc1_body(x_ref, w_ref, dp_ref, g_ref, dinv_ref):
    h = jnp.dot(x_ref[...], w_ref[...], preferred_element_type=jnp.float32)
    degrow = jnp.sum(dp_ref[...], axis=0, keepdims=True) + 1.0
    dinvrow = lax.rsqrt(jnp.maximum(degrow, 1e-12))
    dinv = jnp.swapaxes(dinvrow, 0, 1)
    dinv_ref[...] = dinv
    g_ref[...] = h * dinv


_tc1 = pl.pallas_call(
    _tc1_body,
    grid=(_NBLK,),
    in_specs=[pl.BlockSpec((_BLK, D), lambda i: (i, 0)),
              pl.BlockSpec((D, D), lambda i: (0, 0)),
              pl.BlockSpec((NW, _BLK), lambda i: (0, i))],
    out_specs=[pl.BlockSpec((_BLK, D), lambda i: (i, 0)),
               pl.BlockSpec((_BLK, 1), lambda i: (i, 0))],
    out_shape=[jax.ShapeDtypeStruct((NP, D), jnp.float32),
               jax.ShapeDtypeStruct((NP, 1), jnp.float32)],
)


def _mid_body(p0_ref, p1_ref, dinv_ref, b_ref, w_ref, gout_ref):
    h = jnp.maximum(
        dinv_ref[...] * (p0_ref[...] + p1_ref[...]) + b_ref[...], 0.0)
    gout_ref[...] = dinv_ref[...] * jnp.dot(
        h, w_ref[...], preferred_element_type=jnp.float32)


_mid = pl.pallas_call(
    _mid_body,
    grid=(_NBLK,),
    in_specs=[pl.BlockSpec((_BLK, D), lambda i: (i, 0)),
              pl.BlockSpec((_BLK, D), lambda i: (i, 0)),
              pl.BlockSpec((_BLK, 1), lambda i: (i, 0)),
              pl.BlockSpec((1, D), lambda i: (0, 0)),
              pl.BlockSpec((D, D), lambda i: (0, 0))],
    out_specs=pl.BlockSpec((_BLK, D), lambda i: (i, 0)),
    out_shape=jax.ShapeDtypeStruct((NP, D), jnp.float32),
)


def _fin_body(p0_ref, p1_ref, dinv_ref, b_ref, wab_ref, blin_ref,
              sa_ref, sb_ref):
    h = jnp.maximum(
        dinv_ref[...] * (p0_ref[...] + p1_ref[...]) + b_ref[...], 0.0)
    s = jnp.dot(h, wab_ref[...], preferred_element_type=jnp.float32)
    sa_ref[...] = s[:, 0:1] + blin_ref[0, 0]
    sb_ref[...] = s[:, 1:2]


_fin = pl.pallas_call(
    _fin_body,
    grid=(_NBLK,),
    in_specs=[pl.BlockSpec((_BLK, D), lambda i: (i, 0)),
              pl.BlockSpec((_BLK, D), lambda i: (i, 0)),
              pl.BlockSpec((_BLK, 1), lambda i: (i, 0)),
              pl.BlockSpec((1, D), lambda i: (0, 0)),
              pl.BlockSpec((D, 2), lambda i: (0, 0)),
              pl.BlockSpec((1, 1), lambda i: (0, 0))],
    out_specs=[pl.BlockSpec((_BLK, 1), lambda i: (i, 0)),
               pl.BlockSpec((_BLK, 1), lambda i: (i, 0))],
    out_shape=[jax.ShapeDtypeStruct((NP, 1), jnp.float32),
               jax.ShapeDtypeStruct((NP, 1), jnp.float32)],
)


def kernel(x, edge_index, W1, b1, W2, b2, Wlin, blin):
    src = edge_index[0]
    dst = edge_index[1]
    src4 = src.reshape(NW, NPH, CPP, K)
    dst4 = dst.reshape(NW, NPH, CPP, K)
    xp = jnp.pad(x, ((0, NP - N), (0, 0)))
    zeros_d = jnp.zeros((NP, D), jnp.float32)

    dp = _deg(dst)
    g1, dinv = _tc1(xp, W1, dp)

    p = _conv(g1, zeros_d, src4, dst4)
    g2 = _mid(p[0], p[1], dinv, b1.reshape(1, D), W2)

    p2 = _conv(g2, zeros_d, src4, dst4)
    wab = jnp.concatenate([Wlin[:D], Wlin[D:]], axis=1)
    sa, sb = _fin(p2[0], p2[1], dinv, b2.reshape(1, D), wab,
                  blin.reshape(1, 1))

    return _escore(sa.reshape(NP), sb.reshape(NP), src, dst)

# --- scband reference (transcript-rebuilt; emitter-appended) ---
"""Pipeline reference for scband-gcn-75118978007273 (READ-ONLY COPY).

The authoritative reference and input builder live on the scoring server;
editing this copy changes nothing except your own understanding.
"""

import jax, jax.numpy as jnp
import numpy as np

N = 10000
E = 320000
D = 128
H = 128


def gcn_conv(x, edge_index, W, b):
    n = x.shape[0]
    src = edge_index[0]
    dst = edge_index[1]
    loop = jnp.arange(n, dtype=edge_index.dtype)
    src = jnp.concatenate([src, loop])
    dst = jnp.concatenate([dst, loop])
    deg = jax.ops.segment_sum(jnp.ones(src.shape[0], dtype=x.dtype), dst, num_segments=n)
    dinv = jax.lax.rsqrt(jnp.maximum(deg, 1e-12))
    norm = dinv[src] * dinv[dst]
    h = x @ W
    msg = h[src] * norm[:, None]
    out = jax.ops.segment_sum(msg, dst, num_segments=n)
    return out + b


def setup_inputs(seed: int = 0):
    key = jax.random.key(seed)
    ks = jax.random.split(key, 8)
    x = jax.random.normal(ks[0], (N, D), dtype=jnp.float32)
    edge_index = jax.random.randint(ks[1], (2, E), 0, N, dtype=jnp.int32)
    W1 = jax.random.normal(ks[2], (D, H), dtype=jnp.float32) * (1.0 / np.sqrt(D))
    b1 = jnp.zeros((H,), dtype=jnp.float32)
    W2 = jax.random.normal(ks[3], (H, H), dtype=jnp.float32) * (1.0 / np.sqrt(H))
    b2 = jnp.zeros((H,), dtype=jnp.float32)
    Wlin = jax.random.normal(ks[4], (2 * H, 1), dtype=jnp.float32) * (1.0 / np.sqrt(2 * H))
    blin = jnp.zeros((1,), dtype=jnp.float32)
    return {"x": x, "edge_index": edge_index, "W1": W1, "b1": b1, "W2": W2, "b2": b2, "Wlin": Wlin, "blin": blin}


def reference(x, edge_index, W1, b1, W2, b2, Wlin, blin):
    # conv1 -> relu (dropout is identity at inference)
    h = jax.nn.relu(gcn_conv(x, edge_index, W1, b1))
    # conv2 -> relu
    h = jax.nn.relu(gcn_conv(h, edge_index, W2, b2))
    # per-edge features: concat source and target node embeddings
    ef = jnp.concatenate([h[edge_index[0]], h[edge_index[1]]], axis=1)
    out = ef @ Wlin + blin
    return out.squeeze(-1)

if __name__ == "__main__":
    import jax
    _d = setup_inputs()
    print(jax.jit(kernel)(*tuple(_d.values())))

</pallas_src>

<mosaic_0001>
#map = affine_map<(d0, d1) -> (0)>
#map1 = affine_map<(d0, d1) -> (0, 0)>
module attributes {stable_mosaic.version = 14 : i64} {
  func.func @_deg(%arg0: i32, %arg1: i32, %arg2: memref<320000xi32, #tpu.memory_space<hbm>>, %arg3: memref<32x10240xf32, #tpu.memory_space<hbm>>, %arg4: memref<10000xi32, #tpu.memory_space<vmem>>, %arg5: memref<10240xf32, #tpu.memory_space<vmem>>) attributes {dimension_semantics = [#tpu.dimension_semantics<core_parallel>, #tpu.dimension_semantics<subcore_parallel>], iteration_bounds = array<i64: 2, 16>, scalar_prefetch = 0 : i64, scratch_operands = 2 : i64, tpu.core_type = #tpu.core_type<sc_vector_subcore>, window_params = [{transform_indices = #map}, {transform_indices = #map1}]} {
    %mul3A = arith.constant 2 : i32
    %mul3A_0 = arith.muli %arg1, %mul3A : i32
    %add3A = arith.addi %mul3A_0, %arg0 : i32
    %broadcast_in_dim3A = arith.constant 0.000000e+00 : f32
    %broadcast_in_dim3A_1 = vector.broadcast %broadcast_in_dim3A : f32 to vector<16xf32>
    %broadcast_in_dim3A_2 = arith.constant 1.000000e+00 : f32
    %broadcast_in_dim3A_3 = vector.broadcast %broadcast_in_dim3A_2 : f32 to vector<16xf32>
    %scan3A = arith.constant 0 : i32
    %scan3A_4 = arith.constant 640 : i32
    %scan3A_5 = arith.addi %scan3A, %scan3A_4 : i32
    %scan3A_6 = arith.constant 1 : i32
    scf.for %scan3A_15 = %scan3A to %scan3A_5 step %scan3A_6  : i32 {
      %mul3A_16 = arith.constant 16 : i32
      %mul3A_17 = arith.muli %scan3A_15, %mul3A_16 : i32
      %add3A_18 = arith.constant 0 : i32
      %add3A_19 = arith.addi %add3A_18, %mul3A_17 : i32
      %swap3A = arith.index_cast %add3A_19 : i32 to index
      %swap3A_20 = tpu.vector_load %arg5[%swap3A] {strides = array<i32>} : memref<10240xf32, #tpu.memory_space<vmem>>, vector<16xf32>,
      tpu.vector_store %arg5[%swap3A], %broadcast_in_dim3A_1 {strides = array<i32>} : memref<10240xf32, #tpu.memory_space<vmem>>, vector<16xf32>,
    }
    %scan3A_7 = arith.constant 640 : i32
    %mul3A_8 = arith.constant 10000 : i32
    %mul3A_9 = arith.muli %add3A, %mul3A_8 : i32
    "tpu.region"() ({
      %run_scoped3A = tpu.sem_alloc : memref<!tpu.dma_semaphore, #tpu.memory_space<semaphore_mem>>
      %dma_start3A = tpu.memref_slice %arg2[%mul3A_9] : memref<320000xi32, #tpu.memory_space<hbm>> -> memref<10000xi32, #tpu.memory_space<hbm>>
      %dma_start3A_15 = tpu.memref_slice %arg2[%mul3A_9] : memref<320000xi32, #tpu.memory_space<hbm>> -> memref<10000xi32, #tpu.memory_space<hbm>>
      tpu.enqueue_dma source(%dma_start3A_15 : memref<10000xi32, #tpu.memory_space<hbm>>) target(%arg4 : memref<10000xi32, #tpu.memory_space<vmem>>) target_semaphore(%run_scoped3A : memref<!tpu.dma_semaphore, #tpu.memory_space<semaphore_mem>>)
      %dma_wait3A = tpu.memref_slice %arg2[%mul3A_9] : memref<320000xi32, #tpu.memory_space<hbm>> -> memref<10000xi32, #tpu.memory_space<hbm>>
      %dma_wait3A_16 = tpu.memref_slice %arg2[%mul3A_9] : memref<320000xi32, #tpu.memory_space<hbm>> -> memref<10000xi32, #tpu.memory_space<hbm>>
      tpu.wait_dma2 semaphore(%run_scoped3A : memref<!tpu.dma_semaphore, #tpu.memory_space<semaphore_mem>>) src(%dma_wait3A_16 : memref<10000xi32, #tpu.memory_space<hbm>>) dst(%arg4 : memref<10000xi32, #tpu.memory_space<vmem>>)
      tpu.yield
    }) : () -> ()
    %scan3A_10 = arith.constant 0 : i32
    %scan3A_11 = arith.constant 625 : i32
    %scan3A_12 = arith.addi %scan3A_10, %scan3A_11 : i32
    %scan3A_13 = arith.constant 1 : i32
    scf.for %scan3A_15 = %scan3A_10 to %scan3A_12 step %scan3A_13  : i32 {
      %mul3A_16 = arith.constant 16 : i32
      %mul3A_17 = arith.muli %scan3A_15, %mul3A_16 : i32
      %add3A_18 = arith.constant 0 : i32
      %add3A_19 = arith.addi %add3A_18, %mul3A_17 : i32
      %get3A = arith.index_cast %add3A_19 : i32 to index
      %get3A_20 = tpu.vector_load %arg4[%get3A] {strides = array<i32>} : memref<10000xi32, #tpu.memory_space<vmem>>, vector<16xi32>,
      tpu.vector_store_idx %arg5[%get3A_20], %broadcast_in_dim3A_3 {add = true} : memref<10240xf32, #tpu.memory_space<vmem>>[vector<16xi32>], vector<16xf32>,
    }
    %scan3A_14 = arith.constant 625 : i32
    "tpu.region"() ({
      %run_scoped3A = tpu.sem_alloc : memref<!tpu.dma_semaphore, #tpu.memory_space<semaphore_mem>>
      %dma_start3A = arith.constant 0 : i32
      %dma_start3A_15 = tpu.memref_slice %arg3[%add3A, %dma_start3A] : memref<32x10240xf32, #tpu.memory_space<hbm>> -> memref<1x10240xf32, #tpu.memory_space<hbm>>
      %dma_start3A_16 = tpu.memref_squeeze %dma_start3A_15 : memref<1x10240xf32, #tpu.memory_space<hbm>> -> memref<10240xf32, #tpu.memory_space<hbm>>
      %dma_start3A_17 = arith.constant 0 : i32
      %dma_start3A_18 = tpu.memref_slice %arg3[%add3A, %dma_start3A_17] : memref<32x10240xf32, #tpu.memory_space<hbm>> -> memref<1x10240xf32, #tpu.memory_space<hbm>>
      %dma_start3A_19 = tpu.memref_squeeze %dma_start3A_18 : memref<1x10240xf32, #tpu.memory_space<hbm>> -> memref<10240xf32, #tpu.memory_space<hbm>>
      tpu.enqueue_dma source(%arg5 : memref<10240xf32, #tpu.memory_space<vmem>>) target(%dma_start3A_19 : memref<10240xf32, #tpu.memory_space<hbm>>) target_semaphore(%run_scoped3A : memref<!tpu.dma_semaphore, #tpu.memory_space<semaphore_mem>>)
      %dma_wait3A = arith.constant 0 : i32
      %dma_wait3A_20 = tpu.memref_slice %arg3[%add3A, %dma_wait3A] : memref<32x10240xf32, #tpu.memory_space<hbm>> -> memref<1x10240xf32, #tpu.memory_space<hbm>>
      %dma_wait3A_21 = tpu.memref_squeeze %dma_wait3A_20 : memref<1x10240xf32, #tpu.memory_space<hbm>> -> memref<10240xf32, #tpu.memory_space<hbm>>
      %dma_wait3A_22 = arith.constant 0 : i32
      %dma_wait3A_23 = tpu.memref_slice %arg3[%add3A, %dma_wait3A_22] : memref<32x10240xf32, #tpu.memory_space<hbm>> -> memref<1x10240xf32, #tpu.memory_space<hbm>>
      %dma_wait3A_24 = tpu.memref_squeeze %dma_wait3A_23 : memref<1x10240xf32, #tpu.memory_space<hbm>> -> memref<10240xf32, #tpu.memory_space<hbm>>
      tpu.wait_dma2 semaphore(%run_scoped3A : memref<!tpu.dma_semaphore, #tpu.memory_space<semaphore_mem>>) src(%arg5 : memref<10240xf32, #tpu.memory_space<vmem>>) dst(%dma_wait3A_24 : memref<10240xf32, #tpu.memory_space<hbm>>)
      tpu.yield
    }) : () -> ()
    return
  }
}

#map = affine_map<(d0, d1) -> (0, 0)>
#map1 = affine_map<(d0, d1) -> (0, 0, 0, 0)>
#map2 = affine_map<(d0, d1) -> (0, 0, 0)>
module attributes {stable_mosaic.version = 14 : i64} {
  func.func @_conv(%arg0: i32, %arg1: i32, %arg2: memref<10240x128xf32, #tpu.memory_space<hbm>>, %arg3: memref<10240x128xf32, #tpu.memory_space<hbm>>, %arg4: memref<32x5x50x40xi32, #tpu.memory_space<hbm>>, %arg5: memref<32x5x50x40xi32, #tpu.memory_space<hbm>>, %arg6: memref<2x10240x128xf32, #tpu.memory_space<hbm>>, %arg7: memref<50x40xi32, #tpu.memory_space<vmem>>, %arg8: memref<50x40xi32, #tpu.memory_space<vmem>>, %arg9: memref<40x128xf32, #tpu.memory_space<vmem>>, %arg10: memref<40x128xf32, #tpu.memory_space<vmem>>, %arg11: memref<40x128xf32, #tpu.memory_space<vmem>>, %arg12: memref<40x128xf32, #tpu.memory_space<vmem>>, %arg13: memref<40x128xf32, #tpu.memory_space<vmem>>, %arg14: memref<!tpu.dma_semaphore, #tpu.memory_space<semaphore_mem>>, %arg15: memref<!tpu.dma_semaphore, #tpu.memory_space<semaphore_mem>>, %arg16: memref<!tpu.dma_semaphore, #tpu.memory_space<semaphore_mem>>, %arg17: memref<!tpu.dma_semaphore, #tpu.memory_space<semaphore_mem>>, %arg18: memref<!tpu.dma_semaphore, #tpu.memory_space<semaphore_mem>>, %arg19: memref<10240x128xf32, #tpu.memory_space<vmem_shared>>) attributes {dimension_semantics = [#tpu.dimension_semantics<core_parallel>, #tpu.dimension_semantics<subcore_parallel>], iteration_bounds = array<i64: 2, 16>, scalar_prefetch = 0 : i64, scratch_operands = 13 : i64, tpu.core_type = #tpu.core_type<sc_vector_subcore>, window_params = [{transform_indices = #map}, {transform_indices = #map}, {transform_indices = #map1}, {transform_indices = #map1}, {transform_indices = #map2}]} {
    %mul3A = arith.constant 2 : i32
    %mul3A_0 = arith.muli %arg1, %mul3A : i32
    %add3A = arith.addi %mul3A_0, %arg0 : i32
    %eq3A = arith.constant 0 : i32
    %eq3A_1 = arith.cmpi eq, %arg0, %eq3A : i32
    %convert_element_type3A = arith.extui %eq3A_1 : i1 to i32
    %cond3A = arith.constant 0 : i32
    %cond3A_2 = arith.cmpi ne, %convert_element_type3A, %cond3A : i32
    scf.if %cond3A_2 {
      %mul3A_17 = arith.constant 640 : i32
      %mul3A_18 = arith.muli %arg1, %mul3A_17 : i32
      %mul3A_19 = arith.constant 640 : i32
      %mul3A_20 = arith.muli %arg1, %mul3A_19 : i32
      "tpu.region"() ({
        %run_scoped3A = tpu.sem_alloc : memref<!tpu.dma_semaphore, #tpu.memory_space<semaphore_mem>>
        %dma_start3A = arith.constant 0 : i32
        %dma_start3A_21 = tpu.memref_slice %arg19[%mul3A_20, %dma_start3A] : memref<10240x128xf32, #tpu.memory_space<vmem_shared>> -> memref<640x128xf32, #tpu.memory_space<vmem_shared>>
        %dma_start3A_22 = arith.constant 0 : i32
        %dma_start3A_23 = tpu.memref_slice %arg2[%mul3A_18, %dma_start3A_22] : memref<10240x128xf32, #tpu.memory_space<hbm>> -> memref<640x128xf32, #tpu.memory_space<hbm>>
        tpu.enqueue_dma source(%dma_start3A_23 : memref<640x128xf32, #tpu.memory_space<hbm>>) target(%dma_start3A_21 : memref<640x128xf32, #tpu.memory_space<vmem_shared>>) target_semaphore(%run_scoped3A : memref<!tpu.dma_semaphore, #tpu.memory_space<semaphore_mem>>)
        %dma_wait3A = arith.constant 0 : i32
        %dma_wait3A_24 = tpu.memref_slice %arg19[%mul3A_20, %dma_wait3A] : memref<10240x128xf32, #tpu.memory_space<vmem_shared>> -> memref<640x128xf32, #tpu.memory_space<vmem_shared>>
        %dma_wait3A_25 = arith.constant 0 : i32
        %dma_wait3A_26 = tpu.memref_slice %arg2[%mul3A_18, %dma_wait3A_25] : memref<10240x128xf32, #tpu.memory_space<hbm>> -> memref<640x128xf32, #tpu.memory_space<hbm>>
        tpu.wait_dma2 semaphore(%run_scoped3A : memref<!tpu.dma_semaphore, #tpu.memory_space<semaphore_mem>>) src(%dma_wait3A_26 : memref<640x128xf32, #tpu.memory_space<hbm>>) dst(%dma_wait3A_24 : memref<640x128xf32, #tpu.memory_space<vmem_shared>>)
        tpu.yield
      }) : () -> ()
    } else {
    }
    %eq3A_3 = arith.constant 1 : i32
    %eq3A_4 = arith.cmpi eq, %arg0, %eq3A_3 : i32
    %convert_element_type3A_5 = arith.extui %eq3A_4 : i1 to i32
    %cond3A_6 = arith.constant 0 : i32
    %cond3A_7 = arith.cmpi ne, %convert_element_type3A_5, %cond3A_6 : i32
    scf.if %cond3A_7 {
      %mul3A_17 = arith.constant 640 : i32
      %mul3A_18 = arith.muli %arg1, %mul3A_17 : i32
      %mul3A_19 = arith.constant 640 : i32
      %mul3A_20 = arith.muli %arg1, %mul3A_19 : i32
      "tpu.region"() ({
        %run_scoped3A = tpu.sem_alloc : memref<!tpu.dma_semaphore, #tpu.memory_space<semaphore_mem>>
        %dma_start3A = arith.constant 0 : i32
        %dma_start3A_21 = tpu.memref_slice %arg19[%mul3A_20, %dma_start3A] : memref<10240x128xf32, #tpu.memory_space<vmem_shared>> -> memref<640x128xf32, #tpu.memory_space<vmem_shared>>
        %dma_start3A_22 = arith.constant 0 : i32
        %dma_start3A_23 = tpu.memref_slice %arg3[%mul3A_18, %dma_start3A_22] : memref<10240x128xf32, #tpu.memory_space<hbm>> -> memref<640x128xf32, #tpu.memory_space<hbm>>
        tpu.enqueue_dma source(%dma_start3A_23 : memref<640x128xf32, #tpu.memory_space<hbm>>) target(%dma_start3A_21 : memref<640x128xf32, #tpu.memory_space<vmem_shared>>) target_semaphore(%run_scoped3A : memref<!tpu.dma_semaphore, #tpu.memory_space<semaphore_mem>>)
        %dma_wait3A = arith.constant 0 : i32
        %dma_wait3A_24 = tpu.memref_slice %arg19[%mul3A_20, %dma_wait3A] : memref<10240x128xf32, #tpu.memory_space<vmem_shared>> -> memref<640x128xf32, #tpu.memory_space<vmem_shared>>
        %dma_wait3A_25 = arith.constant 0 : i32
        %dma_wait3A_26 = tpu.memref_slice %arg3[%mul3A_18, %dma_wait3A_25] : memref<10240x128xf32, #tpu.memory_space<hbm>> -> memref<640x128xf32, #tpu.memory_space<hbm>>
        tpu.wait_dma2 semaphore(%run_scoped3A : memref<!tpu.dma_semaphore, #tpu.memory_space<semaphore_mem>>) src(%dma_wait3A_26 : memref<640x128xf32, #tpu.memory_space<hbm>>) dst(%dma_wait3A_24 : memref<640x128xf32, #tpu.memory_space<vmem_shared>>)
        tpu.yield
      }) : () -> ()
    } else {
    }
    %barrier3A = arith.constant 0 : index
    tpu.barrier barrier_id(%barrier3A)
    %scan3A = arith.constant 0 : i32
    %scan3A_8 = arith.constant 5 : i32
    %scan3A_9 = arith.addi %scan3A, %scan3A_8 : i32
    %scan3A_10 = arith.constant 1 : i32
    scf.for %scan3A_17 = %scan3A to %scan3A_9 step %scan3A_10  : i32 {
      %mul3A_18 = arith.constant 1 : i32
      %mul3A_19 = arith.muli %scan3A_17, %mul3A_18 : i32
      %add3A_20 = arith.constant 0 : i32
      %add3A_21 = arith.addi %add3A_20, %mul3A_19 : i32
      "tpu.region"() ({
        %run_scoped3A = tpu.sem_alloc : memref<!tpu.dma_semaphore, #tpu.memory_space<semaphore_mem>>
        %dma_start3A_54 = arith.constant 0 : i32
        %dma_start3A_55 = arith.constant 0 : i32
        %dma_start3A_56 = tpu.memref_slice %arg4[%add3A, %add3A_21, %dma_start3A_54, %dma_start3A_55] : memref<32x5x50x40xi32, #tpu.memory_space<hbm>> -> memref<1x1x50x40xi32, #tpu.memory_space<hbm>>
        %dma_start3A_57 = tpu.memref_squeeze %dma_start3A_56 : memref<1x1x50x40xi32, #tpu.memory_space<hbm>> -> memref<50x40xi32, #tpu.memory_space<hbm>>
        %dma_start3A_58 = arith.constant 0 : i32
        %dma_start3A_59 = arith.constant 0 : i32
        %dma_start3A_60 = tpu.memref_slice %arg4[%add3A, %add3A_21, %dma_start3A_58, %dma_start3A_59] : memref<32x5x50x40xi32, #tpu.memory_space<hbm>> -> memref<1x1x50x40xi32, #tpu.memory_space<hbm>>
        %dma_start3A_61 = tpu.memref_squeeze %dma_start3A_60 : memref<1x1x50x40xi32, #tpu.memory_space<hbm>> -> memref<50x40xi32, #tpu.memory_space<hbm>>
        tpu.enqueue_dma source(%dma_start3A_61 : memref<50x40xi32, #tpu.memory_space<hbm>>) target(%arg7 : memref<50x40xi32, #tpu.memory_space<vmem>>) target_semaphore(%run_scoped3A : memref<!tpu.dma_semaphore, #tpu.memory_space<semaphore_mem>>)
        %dma_wait3A = arith.constant 0 : i32
        %dma_wait3A_62 = arith.constant 0 : i32
        %dma_wait3A_63 = tpu.memref_slice %arg4[%add3A, %add3A_21, %dma_wait3A, %dma_wait3A_62] : memref<32x5x50x40xi32, #tpu.memory_space<hbm>> -> memref<1x1x50x40xi32, #tpu.memory_space<hbm>>
        %dma_wait3A_64 = tpu.memref_squeeze %dma_wait3A_63 : memref<1x1x50x40xi32, #tpu.memory_space<hbm>> -> memref<50x40xi32, #tpu.memory_space<hbm>>
        %dma_wait3A_65 = arith.constant 0 : i32
        %dma_wait3A_66 = arith.constant 0 : i32
        %dma_wait3A_67 = tpu.memref_slice %arg4[%add3A, %add3A_21, %dma_wait3A_65, %dma_wait3A_66] : memref<32x5x50x40xi32, #tpu.memory_space<hbm>> -> memref<1x1x50x40xi32, #tpu.memory_space<hbm>>
        %dma_wait3A_68 = tpu.memref_squeeze %dma_wait3A_67 : memref<1x1x50x40xi32, #tpu.memory_space<hbm>> -> memref<50x40xi32, #tpu.memory_space<hbm>>
        tpu.wait_dma2 semaphore(%run_scoped3A : memref<!tpu.dma_semaphore, #tpu.memory_space<semaphore_mem>>) src(%dma_wait3A_68 : memref<50x40xi32, #tpu.memory_space<hbm>>) dst(%arg7 : memref<50x40xi32, #tpu.memory_space<vmem>>)
        tpu.yield
      }) : () -> ()
      "tpu.region"() ({
        %run_scoped3A = tpu.sem_alloc : memref<!tpu.dma_semaphore, #tpu.memory_space<semaphore_mem>>
        %dma_start3A_54 = arith.constant 0 : i32
        %dma_start3A_55 = arith.constant 0 : i32
        %dma_start3A_56 = tpu.memref_slice %arg5[%add3A, %add3A_21, %dma_start3A_54, %dma_start3A_55] : memref<32x5x50x40xi32, #tpu.memory_space<hbm>> -> memref<1x1x50x40xi32, #tpu.memory_space<hbm>>
        %dma_start3A_57 = tpu.memref_squeeze %dma_start3A_56 : memref<1x1x50x40xi32, #tpu.memory_space<hbm>> -> memref<50x40xi32, #tpu.memory_space<hbm>>
        %dma_start3A_58 = arith.constant 0 : i32
        %dma_start3A_59 = arith.constant 0 : i32
        %dma_start3A_60 = tpu.memref_slice %arg5[%add3A, %add3A_21, %dma_start3A_58, %dma_start3A_59] : memref<32x5x50x40xi32, #tpu.memory_space<hbm>> -> memref<1x1x50x40xi32, #tpu.memory_space<hbm>>
        %dma_start3A_61 = tpu.memref_squeeze %dma_start3A_60 : memref<1x1x50x40xi32, #tpu.memory_space<hbm>> -> memref<50x40xi32, #tpu.memory_space<hbm>>
        tpu.enqueue_dma source(%dma_start3A_61 : memref<50x40xi32, #tpu.memory_space<hbm>>) target(%arg8 : memref<50x40xi32, #tpu.memory_space<vmem>>) target_semaphore(%run_scoped3A : memref<!tpu.dma_semaphore, #tpu.memory_space<semaphore_mem>>)
        %dma_wait3A = arith.constant 0 : i32
        %dma_wait3A_62 = arith.constant 0 : i32
        %dma_wait3A_63 = tpu.memref_slice %arg5[%add3A, %add3A_21, %dma_wait3A, %dma_wait3A_62] : memref<32x5x50x40xi32, #tpu.memory_space<hbm>> -> memref<1x1x50x40xi32, #tpu.memory_space<hbm>>
        %dma_wait3A_64 = tpu.memref_squeeze %dma_wait3A_63 : memref<1x1x50x40xi32, #tpu.memory_space<hbm>> -> memref<50x40xi32, #tpu.memory_space<hbm>>
        %dma_wait3A_65 = arith.constant 0 : i32
        %dma_wait3A_66 = arith.constant 0 : i32
        %dma_wait3A_67 = tpu.memref_slice %arg5[%add3A, %add3A_21, %dma_wait3A_65, %dma_wait3A_66] : memref<32x5x50x40xi32, #tpu.memory_space<hbm>> -> memref<1x1x50x40xi32, #tpu.memory_space<hbm>>
        %dma_wait3A_68 = tpu.memref_squeeze %dma_wait3A_67 : memref<1x1x50x40xi32, #tpu.memory_space<hbm>> -> memref<50x40xi32, #tpu.memory_space<hbm>>
        tpu.wait_dma2 semaphore(%run_scoped3A : memref<!tpu.dma_semaphore, #tpu.memory_space<semaphore_mem>>) src(%dma_wait3A_68 : memref<50x40xi32, #tpu.memory_space<hbm>>) dst(%arg8 : memref<50x40xi32, #tpu.memory_space<vmem>>)
        tpu.yield
      }) : () -> ()
      %dma_start3A = arith.constant 0 : i32
      %dma_start3A_22 = arith.constant 0 : i32
      %dma_start3A_23 = tpu.memref_slice %arg7[%dma_start3A, %dma_start3A_22] : memref<50x40xi32, #tpu.memory_space<vmem>> -> memref<1x40xi32, #tpu.memory_space<vmem>>
      %dma_start3A_24 = tpu.memref_squeeze %dma_start3A_23 : memref<1x40xi32, #tpu.memory_space<vmem>> -> memref<40xi32, #tpu.memory_space<vmem>>
      %dma_start3A_25 = arith.constant 0 : i32
      %dma_start3A_26 = arith.constant 0 : i32
      %dma_start3A_27 = tpu.memref_slice %arg2[%dma_start3A_25, %dma_start3A_26] : memref<10240x128xf32, #tpu.memory_space<hbm>> -> memref<10240x128xf32, #tpu.memory_space<hbm>>
      tpu.enqueue_indirect_dma source(%dma_start3A_27 : memref<10240x128xf32, #tpu.memory_space<hbm>>) target(%arg9 : memref<40x128xf32, #tpu.memory_space<vmem>>) offsets(%dma_start3A_24 : memref<40xi32, #tpu.memory_space<vmem>>) semaphore(%arg14 : memref<!tpu.dma_semaphore, #tpu.memory_space<semaphore_mem>>)
      %dma_start3A_28 = arith.constant 1 : i32
      %dma_start3A_29 = arith.constant 0 : i32
      %dma_start3A_30 = tpu.memref_slice %arg7[%dma_start3A_28, %dma_start3A_29] : memref<50x40xi32, #tpu.memory_space<vmem>> -> memref<1x40xi32, #tpu.memory_space<vmem>>
      %dma_start3A_31 = tpu.memref_squeeze %dma_start3A_30 : memref<1x40xi32, #tpu.memory_space<vmem>> -> memref<40xi32, #tpu.memory_space<vmem>>
      %dma_start3A_32 = arith.constant 0 : i32
      %dma_start3A_33 = arith.constant 0 : i32
      %dma_start3A_34 = tpu.memref_slice %arg2[%dma_start3A_32, %dma_start3A_33] : memref<10240x128xf32, #tpu.memory_space<hbm>> -> memref<10240x128xf32, #tpu.memory_space<hbm>>
      tpu.enqueue_indirect_dma source(%dma_start3A_34 : memref<10240x128xf32, #tpu.memory_space<hbm>>) target(%arg10 : memref<40x128xf32, #tpu.memory_space<vmem>>) offsets(%dma_start3A_31 : memref<40xi32, #tpu.memory_space<vmem>>) semaphore(%arg15 : memref<!tpu.dma_semaphore, #tpu.memory_space<semaphore_mem>>)
      %dma_start3A_35 = arith.constant 2 : i32
      %dma_start3A_36 = arith.constant 0 : i32
      %dma_start3A_37 = tpu.memref_slice %arg7[%dma_start3A_35, %dma_start3A_36] : memref<50x40xi32, #tpu.memory_space<vmem>> -> memref<1x40xi32, #tpu.memory_space<vmem>>
      %dma_start3A_38 = tpu.memref_squeeze %dma_start3A_37 : memref<1x40xi32, #tpu.memory_space<vmem>> -> memref<40xi32, #tpu.memory_space<vmem>>
      %dma_start3A_39 = arith.constant 0 : i32
      %dma_start3A_40 = arith.constant 0 : i32
      %dma_start3A_41 = tpu.memref_slice %arg2[%dma_start3A_39, %dma_start3A_40] : memref<10240x128xf32, #tpu.memory_space<hbm>> -> memref<10240x128xf32, #tpu.memory_space<hbm>>
      tpu.enqueue_indirect_dma source(%dma_start3A_41 : memref<10240x128xf32, #tpu.memory_space<hbm>>) target(%arg11 : memref<40x128xf32, #tpu.memory_space<vmem>>) offsets(%dma_start3A_38 : memref<40xi32, #tpu.memory_space<vmem>>) semaphore(%arg16 : memref<!tpu.dma_semaphore, #tpu.memory_space<semaphore_mem>>)
      %dma_start3A_42 = arith.constant 3 : i32
      %dma_start3A_43 = arith.constant 0 : i32
      %dma_start3A_44 = tpu.memref_slice %arg7[%dma_start3A_42, %dma_start3A_43] : memref<50x40xi32, #tpu.memory_space<vmem>> -> memref<1x40xi32, #tpu.memory_space<vmem>>
      %dma_start3A_45 = tpu.memref_squeeze %dma_start3A_44 : memref<1x40xi32, #tpu.memory_space<vmem>> -> memref<40xi32, #tpu.memory_space<vmem>>
      %dma_start3A_46 = arith.constant 0 : i32
      %dma_start3A_47 = arith.constant 0 : i32
      %dma_start3A_48 = tpu.memref_slice %arg2[%dma_start3A_46, %dma_start3A_47] : memref<10240x128xf32, #tpu.memory_space<hbm>> -> memref<10240x128xf32, #tpu.memory_space<hbm>>
      tpu.enqueue_indirect_dma source(%dma_start3A_48 : memref<10240x128xf32, #tpu.memory_space<hbm>>) target(%arg12 : memref<40x128xf32, #tpu.memory_space<vmem>>) offsets(%dma_start3A_45 : memref<40xi32, #tpu.memory_space<vmem>>) semaphore(%arg17 : memref<!tpu.dma_semaphore, #tpu.memory_space<semaphore_mem>>)
      %scan3A_49 = arith.constant 0 : i32
      %scan3A_50 = arith.constant 10 : i32
      %scan3A_51 = arith.addi %scan3A_49, %scan3A_50 : i32
      %scan3A_52 = arith.constant 1 : i32
      scf.for %scan3A_54 = %scan3A_49 to %scan3A_51 step %scan3A_52  : i32 {
        %mul3A_55 = arith.constant 1 : i32
        %mul3A_56 = arith.muli %scan3A_54, %mul3A_55 : i32
        %add3A_57 = arith.constant 0 : i32
        %add3A_58 = arith.addi %add3A_57, %mul3A_56 : i32
        %mul3A_59 = arith.constant 5 : i32
        %mul3A_60 = arith.muli %add3A_58, %mul3A_59 : i32
        %add3A_61 = arith.constant 0 : i32
        %add3A_62 = arith.addi %mul3A_60, %add3A_61 : i32
        %dma_wait3A = arith.constant 0 : i32
        %dma_wait3A_63 = tpu.memref_slice %arg7[%add3A_62, %dma_wait3A] : memref<50x40xi32, #tpu.memory_space<vmem>> -> memref<1x40xi32, #tpu.memory_space<vmem>>
        %dma_wait3A_64 = tpu.memref_squeeze %dma_wait3A_63 : memref<1x40xi32, #tpu.memory_space<vmem>> -> memref<40xi32, #tpu.memory_space<vmem>>
        %dma_wait3A_65 = arith.constant 0 : i32
        %dma_wait3A_66 = arith.constant 0 : i32
        %dma_wait3A_67 = tpu.memref_slice %arg2[%dma_wait3A_65, %dma_wait3A_66] : memref<10240x128xf32, #tpu.memory_space<hbm>> -> memref<10240x128xf32, #tpu.memory_space<hbm>>
        tpu.wait_indirect_dma semaphore(%arg14 : memref<!tpu.dma_semaphore, #tpu.memory_space<semaphore_mem>>) src(%dma_wait3A_67 : memref<10240x128xf32, #tpu.memory_space<hbm>>) dst(%arg9 : memref<40x128xf32, #tpu.memory_space<vmem>>)
        %add3A_68 = arith.constant 5 : i32
        %add3A_69 = arith.addi %add3A_62, %add3A_68 : i32
        %sub3A = arith.constant 1 : i32
        %sub3A_70 = arith.subi %add3A_69, %sub3A : i32
        %lt3A = arith.constant 50 : i32
        %lt3A_71 = arith.cmpi slt, %sub3A_70, %lt3A : i32
        %convert_element_type3A_72 = arith.extui %lt3A_71 : i1 to i32
        %cond3A_73 = arith.constant 0 : i32
        %cond3A_74 = arith.cmpi ne, %convert_element_type3A_72, %cond3A_73 : i32
        scf.if %cond3A_74 {
          %dma_start3A_143 = arith.constant 0 : i32
          %dma_start3A_144 = tpu.memref_slice %arg7[%sub3A_70, %dma_start3A_143] : memref<50x40xi32, #tpu.memory_space<vmem>> -> memref<1x40xi32, #tpu.memory_space<vmem>>
          %dma_start3A_145 = tpu.memref_squeeze %dma_start3A_144 : memref<1x40xi32, #tpu.memory_space<vmem>> -> memref<40xi32, #tpu.memory_space<vmem>>
          %dma_start3A_146 = arith.constant 0 : i32
          %dma_start3A_147 = arith.constant 0 : i32
          %dma_start3A_148 = tpu.memref_slice %arg2[%dma_start3A_146, %dma_start3A_147] : memref<10240x128xf32, #tpu.memory_space<hbm>> -> memref<10240x128xf32, #tpu.memory_space<hbm>>
          tpu.enqueue_indirect_dma source(%dma_start3A_148 : memref<10240x128xf32, #tpu.memory_space<hbm>>) target(%arg13 : memref<40x128xf32, #tpu.memory_space<vmem>>) offsets(%dma_start3A_145 : memref<40xi32, #tpu.memory_space<vmem>>) semaphore(%arg18 : memref<!tpu.dma_semaphore, #tpu.memory_space<semaphore_mem>>)
        } else {
        }
        "tpu.region"() ({
          %run_scoped3A = tpu.sem_alloc : memref<!tpu.dma_semaphore, #tpu.memory_space<semaphore_mem>>
          %dma_start3A_143 = arith.constant 0 : i32
          %dma_start3A_144 = tpu.memref_slice %arg8[%add3A_62, %dma_start3A_143] : memref<50x40xi32, #tpu.memory_space<vmem>> -> memref<1x40xi32, #tpu.memory_space<vmem>>
          %dma_start3A_145 = tpu.memref_squeeze %dma_start3A_144 : memref<1x40xi32, #tpu.memory_space<vmem>> -> memref<40xi32, #tpu.memory_space<vmem>>
          %dma_start3A_146 = arith.constant 0 : i32
          %dma_start3A_147 = arith.constant 0 : i32
          %dma_start3A_148 = tpu.memref_slice %arg19[%dma_start3A_146, %dma_start3A_147] : memref<10240x128xf32, #tpu.memory_space<vmem_shared>> -> memref<10240x128xf32, #tpu.memory_space<vmem_shared>>
          tpu.enqueue_indirect_dma source(%arg9 : memref<40x128xf32, #tpu.memory_space<vmem>>) target(%dma_start3A_148 : memref<10240x128xf32, #tpu.memory_space<vmem_shared>>) offsets(%dma_start3A_145 : memref<40xi32, #tpu.memory_space<vmem>>) semaphore(%run_scoped3A : memref<!tpu.dma_semaphore, #tpu.memory_space<semaphore_mem>>) {add = true}
          %dma_wait3A_149 = arith.constant 0 : i32
          %dma_wait3A_150 = tpu.memref_slice %arg8[%add3A_62, %dma_wait3A_149] : memref<50x40xi32, #tpu.memory_space<vmem>> -> memref<1x40xi32, #tpu.memory_space<vmem>>
          %dma_wait3A_151 = tpu.memref_squeeze %dma_wait3A_150 : memref<1x40xi32, #tpu.memory_space<vmem>> -> memref<40xi32, #tpu.memory_space<vmem>>
          %dma_wait3A_152 = arith.constant 0 : i32
          %dma_wait3A_153 = arith.constant 0 : i32
          %dma_wait3A_154 = tpu.memref_slice %arg19[%dma_wait3A_152, %dma_wait3A_153] : memref<10240x128xf32, #tpu.memory_space<vmem_shared>> -> memref<10240x128xf32, #tpu.memory_space<vmem_shared>>
          tpu.wait_indirect_dma semaphore(%run_scoped3A : memref<!tpu.dma_semaphore, #tpu.memory_space<semaphore_mem>>) src(%arg9 : memref<40x128xf32, #tpu.memory_space<vmem>>) dst(%dma_wait3A_154 : memref<10240x128xf32, #tpu.memory_space<vmem_shared>>)
          tpu.yield
        }) : () -> ()
        %add3A_75 = arith.constant 1 : i32
        %add3A_76 = arith.addi %mul3A_60, %add3A_75 : i32
        %dma_wait3A_77 = arith.constant 0 : i32
        %dma_wait3A_78 = tpu.memref_slice %arg7[%add3A_76, %dma_wait3A_77] : memref<50x40xi32, #tpu.memory_space<vmem>> -> memref<1x40xi32, #tpu.memory_space<vmem>>
        %dma_wait3A_79 = tpu.memref_squeeze %dma_wait3A_78 : memref<1x40xi32, #tpu.memory_space<vmem>> -> memref<40xi32, #tpu.memory_space<vmem>>
        %dma_wait3A_80 = arith.constant 0 : i32
        %dma_wait3A_81 = arith.constant 0 : i32
        %dma_wait3A_82 = tpu.memref_slice %arg2[%dma_wait3A_80, %dma_wait3A_81] : memref<10240x128xf32, #tpu.memory_space<hbm>> -> memref<10240x128xf32, #tpu.memory_space<hbm>>
        tpu.wait_indirect_dma semaphore(%arg15 : memref<!tpu.dma_semaphore, #tpu.memory_space<semaphore_mem>>) src(%dma_wait3A_82 : memref<10240x128xf32, #tpu.memory_space<hbm>>) dst(%arg10 : memref<40x128xf32, #tpu.memory_space<vmem>>)
        %add3A_83 = arith.constant 5 : i32
        %add3A_84 = arith.addi %add3A_76, %add3A_83 : i32
        %sub3A_85 = arith.constant 1 : i32
        %sub3A_86 = arith.subi %add3A_84, %sub3A_85 : i32
        %lt3A_87 = arith.constant 50 : i32
        %lt3A_88 = arith.cmpi slt, %sub3A_86, %lt3A_87 : i32
        %convert_element_type3A_89 = arith.extui %lt3A_88 : i1 to i32
        %cond3A_90 = arith.constant 0 : i32
        %cond3A_91 = arith.cmpi ne, %convert_element_type3A_89, %cond3A_90 : i32
        scf.if %cond3A_91 {
          %dma_start3A_143 = arith.constant 0 : i32
          %dma_start3A_144 = tpu.memref_slice %arg7[%sub3A_86, %dma_start3A_143] : memref<50x40xi32, #tpu.memory_space<vmem>> -> memref<1x40xi32, #tpu.memory_space<vmem>>
          %dma_start3A_145 = tpu.memref_squeeze %dma_start3A_144 : memref<1x40xi32, #tpu.memory_space<vmem>> -> memref<40xi32, #tpu.memory_space<vmem>>
          %dma_start3A_146 = arith.constant 0 : i32
          %dma_start3A_147 = arith.constant 0 : i32
          %dma_start3A_148 = tpu.memref_slice %arg2[%dma_start3A_146, %dma_start3A_147] : memref<10240x128xf32, #tpu.memory_space<hbm>> -> memref<10240x128xf32, #tpu.memory_space<hbm>>
          tpu.enqueue_indirect_dma source(%dma_start3A_148 : memref<10240x128xf32, #tpu.memory_space<hbm>>) target(%arg9 : memref<40x128xf32, #tpu.memory_space<vmem>>) offsets(%dma_start3A_145 : memref<40xi32, #tpu.memory_space<vmem>>) semaphore(%arg14 : memref<!tpu.dma_semaphore, #tpu.memory_space<semaphore_mem>>)
        } else {
        }
        "tpu.region"() ({
          %run_scoped3A = tpu.sem_alloc : memref<!tpu.dma_semaphore, #tpu.memory_space<semaphore_mem>>
          %dma_start3A_143 = arith.constant 0 : i32
          %dma_start3A_144 = tpu.memref_slice %arg8[%add3A_76, %dma_start3A_143] : memref<50x40xi32, #tpu.memory_space<vmem>> -> memref<1x40xi32, #tpu.memory_space<vmem>>
          %dma_start3A_145 = tpu.memref_squeeze %dma_start3A_144 : memref<1x40xi32, #tpu.memory_space<vmem>> -> memref<40xi32, #tpu.memory_space<vmem>>
          %dma_start3A_146 = arith.constant 0 : i32
          %dma_start3A_147 = arith.constant 0 : i32
          %dma_start3A_148 = tpu.memref_slice %arg19[%dma_start3A_146, %dma_start3A_147] : memref<10240x128xf32, #tpu.memory_space<vmem_shared>> -> memref<10240x128xf32, #tpu.memory_space<vmem_shared>>
          tpu.enqueue_indirect_dma source(%arg10 : memref<40x128xf32, #tpu.memory_space<vmem>>) target(%dma_start3A_148 : memref<10240x128xf32, #tpu.memory_space<vmem_shared>>) offsets(%dma_start3A_145 : memref<40xi32, #tpu.memory_space<vmem>>) semaphore(%run_scoped3A : memref<!tpu.dma_semaphore, #tpu.memory_space<semaphore_mem>>) {add = true}
          %dma_wait3A_149 = arith.constant 0 : i32
          %dma_wait3A_150 = tpu.memref_slice %arg8[%add3A_76, %dma_wait3A_149] : memref<50x40xi32, #tpu.memory_space<vmem>> -> memref<1x40xi32, #tpu.memory_space<vmem>>
          %dma_wait3A_151 = tpu.memref_squeeze %dma_wait3A_150 : memref<1x40xi32, #tpu.memory_space<vmem>> -> memref<40xi32, #tpu.memory_space<vmem>>
          %dma_wait3A_152 = arith.constant 0 : i32
          %dma_wait3A_153 = arith.constant 0 : i32
          %dma_wait3A_154 = tpu.memref_slice %arg19[%dma_wait3A_152, %dma_wait3A_153] : memref<10240x128xf32, #tpu.memory_space<vmem_shared>> -> memref<10240x128xf32, #tpu.memory_space<vmem_shared>>
          tpu.wait_indirect_dma semaphore(%run_scoped3A : memref<!tpu.dma_semaphore, #tpu.memory_space<semaphore_mem>>) src(%arg10 : memref<40x128xf32, #tpu.memory_space<vmem>>) dst(%dma_wait3A_154 : memref<10240x128xf32, #tpu.memory_space<vmem_shared>>)
          tpu.yield
        }) : () -> ()
        %add3A_92 = arith.constant 2 : i32
        %add3A_93 = arith.addi %mul3A_60, %add3A_92 : i32
        %dma_wait3A_94 = arith.constant 0 : i32
        %dma_wait3A_95 = tpu.memref_slice %arg7[%add3A_93, %dma_wait3A_94] : memref<50x40xi32, #tpu.memory_space<vmem>> -> memref<1x40xi32, #tpu.memory_space<vmem>>
        %dma_wait3A_96 = tpu.memref_squeeze %dma_wait3A_95 : memref<1x40xi32, #tpu.memory_space<vmem>> -> memref<40xi32, #tpu.memory_space<vmem>>
        %dma_wait3A_97 = arith.constant 0 : i32
        %dma_wait3A_98 = arith.constant 0 : i32
        %dma_wait3A_99 = tpu.memref_slice %arg2[%dma_wait3A_97, %dma_wait3A_98] : memref<10240x128xf32, #tpu.memory_space<hbm>> -> memref<10240x128xf32, #tpu.memory_space<hbm>>
        tpu.wait_indirect_dma semaphore(%arg16 : memref<!tpu.dma_semaphore, #tpu.memory_space<semaphore_mem>>) src(%dma_wait3A_99 : memref<10240x128xf32, #tpu.memory_space<hbm>>) dst(%arg11 : memref<40x128xf32, #tpu.memory_space<vmem>>)
        %add3A_100 = arith.constant 5 : i32
        %add3A_101 = arith.addi %add3A_93, %add3A_100 : i32
        %sub3A_102 = arith.constant 1 : i32
        %sub3A_103 = arith.subi %add3A_101, %sub3A_102 : i32
        %lt3A_104 = arith.constant 50 : i32
        %lt3A_105 = arith.cmpi slt, %sub3A_103, %lt3A_104 : i32
        %convert_element_type3A_106 = arith.extui %lt3A_105 : i1 to i32
        %cond3A_107 = arith.constant 0 : i32
        %cond3A_108 = arith.cmpi ne, %convert_element_type3A_106, %cond3A_107 : i32
        scf.if %cond3A_108 {
          %dma_start3A_143 = arith.constant 0 : i32
          %dma_start3A_144 = tpu.memref_slice %arg7[%sub3A_103, %dma_start3A_143] : memref<50x40xi32, #tpu.memory_space<vmem>> -> memref<1x40xi32, #tpu.memory_space<vmem>>
          %dma_start3A_145 = tpu.memref_squeeze %dma_start3A_144 : memref<1x40xi32, #tpu.memory_space<vmem>> -> memref<40xi32, #tpu.memory_space<vmem>>
          %dma_start3A_146 = arith.constant 0 : i32
          %dma_start3A_147 = arith.constant 0 : i32
          %dma_start3A_148 = tpu.memref_slice %arg2[%dma_start3A_146, %dma_start3A_147] : memref<10240x128xf32, #tpu.memory_space<hbm>> -> memref<10240x128xf32, #tpu.memory_space<hbm>>
          tpu.enqueue_indirect_dma source(%dma_start3A_148 : memref<10240x128xf32, #tpu.memory_space<hbm>>) target(%arg10 : memref<40x128xf32, #tpu.memory_space<vmem>>) offsets(%dma_start3A_145 : memref<40xi32, #tpu.memory_space<vmem>>) semaphore(%arg15 : memref<!tpu.dma_semaphore, #tpu.memory_space<semaphore_mem>>)
        } else {
        }
        "tpu.region"() ({
          %run_scoped3A = tpu.sem_alloc : memref<!tpu.dma_semaphore, #tpu.memory_space<semaphore_mem>>
          %dma_start3A_143 = arith.constant 0 : i32
          %dma_start3A_144 = tpu.memref_slice %arg8[%add3A_93, %dma_start3A_143] : memref<50x40xi32, #tpu.memory_space<vmem>> -> memref<1x40xi32, #tpu.memory_space<vmem>>
          %dma_start3A_145 = tpu.memref_squeeze %dma_start3A_144 : memref<1x40xi32, #tpu.memory_space<vmem>> -> memref<40xi32, #tpu.memory_space<vmem>>
          %dma_start3A_146 = arith.constant 0 : i32
          %dma_start3A_147 = arith.constant 0 : i32
          %dma_start3A_148 = tpu.memref_slice %arg19[%dma_start3A_146, %dma_start3A_147] : memref<10240x128xf32, #tpu.memory_space<vmem_shared>> -> memref<10240x128xf32, #tpu.memory_space<vmem_shared>>
          tpu.enqueue_indirect_dma source(%arg11 : memref<40x128xf32, #tpu.memory_space<vmem>>) target(%dma_start3A_148 : memref<10240x128xf32, #tpu.memory_space<vmem_shared>>) offsets(%dma_start3A_145 : memref<40xi32, #tpu.memory_space<vmem>>) semaphore(%run_scoped3A : memref<!tpu.dma_semaphore, #tpu.memory_space<semaphore_mem>>) {add = true}
          %dma_wait3A_149 = arith.constant 0 : i32
          %dma_wait3A_150 = tpu.memref_slice %arg8[%add3A_93, %dma_wait3A_149] : memref<50x40xi32, #tpu.memory_space<vmem>> -> memref<1x40xi32, #tpu.memory_space<vmem>>
          %dma_wait3A_151 = tpu.memref_squeeze %dma_wait3A_150 : memref<1x40xi32, #tpu.memory_space<vmem>> -> memref<40xi32, #tpu.memory_space<vmem>>
          %dma_wait3A_152 = arith.constant 0 : i32
          %dma_wait3A_153 = arith.constant 0 : i32
          %dma_wait3A_154 = tpu.memref_slice %arg19[%dma_wait3A_152, %dma_wait3A_153] : memref<10240x128xf32, #tpu.memory_space<vmem_shared>> -> memref<10240x128xf32, #tpu.memory_space<vmem_shared>>
          tpu.wait_indirect_dma semaphore(%run_scoped3A : memref<!tpu.dma_semaphore, #tpu.memory_space<semaphore_mem>>) src(%arg11 : memref<40x128xf32, #tpu.memory_space<vmem>>) dst(%dma_wait3A_154 : memref<10240x128xf32, #tpu.memory_space<vmem_shared>>)
          tpu.yield
        }) : () -> ()
        %add3A_109 = arith.constant 3 : i32
        %add3A_110 = arith.addi %mul3A_60, %add3A_109 : i32
        %dma_wait3A_111 = arith.constant 0 : i32
        %dma_wait3A_112 = tpu.memref_slice %arg7[%add3A_110, %dma_wait3A_111] : memref<50x40xi32, #tpu.memory_space<vmem>> -> memref<1x40xi32, #tpu.memory_space<vmem>>
        %dma_wait3A_113 = tpu.memref_squeeze %dma_wait3A_112 : memref<1x40xi32, #tpu.memory_space<vmem>> -> memref<40xi32, #tpu.memory_space<vmem>>
        %dma_wait3A_114 = arith.constant 0 : i32
        %dma_wait3A_115 = arith.constant 0 : i32
        %dma_wait3A_116 = tpu.memref_slice %arg2[%dma_wait3A_114, %dma_wait3A_115] : memref<10240x128xf32, #tpu.memory_space<hbm>> -> memref<10240x128xf32, #tpu.memory_space<hbm>>
        tpu.wait_indirect_dma semaphore(%arg17 : memref<!tpu.dma_semaphore, #tpu.memory_space<semaphore_mem>>) src(%dma_wait3A_116 : memref<10240x128xf32, #tpu.memory_space<hbm>>) dst(%arg12 : memref<40x128xf32, #tpu.memory_space<vmem>>)
        %add3A_117 = arith.constant 5 : i32
        %add3A_118 = arith.addi %add3A_110, %add3A_117 : i32
        %sub3A_119 = arith.constant 1 : i32
        %sub3A_120 = arith.subi %add3A_118, %sub3A_119 : i32
        %lt3A_121 = arith.constant 50 : i32
        %lt3A_122 = arith.cmpi slt, %sub3A_120, %lt3A_121 : i32
        %convert_element_type3A_123 = arith.extui %lt3A_122 : i1 to i32
        %cond3A_124 = arith.constant 0 : i32
        %cond3A_125 = arith.cmpi ne, %convert_element_type3A_123, %cond3A_124 : i32
        scf.if %cond3A_125 {
          %dma_start3A_143 = arith.constant 0 : i32
          %dma_start3A_144 = tpu.memref_slice %arg7[%sub3A_120, %dma_start3A_143] : memref<50x40xi32, #tpu.memory_space<vmem>> -> memref<1x40xi32, #tpu.memory_space<vmem>>
          %dma_start3A_145 = tpu.memref_squeeze %dma_start3A_144 : memref<1x40xi32, #tpu.memory_space<vmem>> -> memref<40xi32, #tpu.memory_space<vmem>>
          %dma_start3A_146 = arith.constant 0 : i32
          %dma_start3A_147 = arith.constant 0 : i32
          %dma_start3A_148 = tpu.memref_slice %arg2[%dma_start3A_146, %dma_start3A_147] : memref<10240x128xf32, #tpu.memory_space<hbm>> -> memref<10240x128xf32, #tpu.memory_space<hbm>>
          tpu.enqueue_indirect_dma source(%dma_start3A_148 : memref<10240x128xf32, #tpu.memory_space<hbm>>) target(%arg11 : memref<40x128xf32, #tpu.memory_space<vmem>>) offsets(%dma_start3A_145 : memref<40xi32, #tpu.memory_space<vmem>>) semaphore(%arg16 : memref<!tpu.dma_semaphore, #tpu.memory_space<semaphore_mem>>)
        } else {
        }
        "tpu.region"() ({
          %run_scoped3A = tpu.sem_alloc : memref<!tpu.dma_semaphore, #tpu.memory_space<semaphore_mem>>
          %dma_start3A_143 = arith.constant 0 : i32
          %dma_start3A_144 = tpu.memref_slice %arg8[%add3A_110, %dma_start3A_143] : memref<50x40xi32, #tpu.memory_space<vmem>> -> memref<1x40xi32, #tpu.memory_space<vmem>>
          %dma_start3A_145 = tpu.memref_squeeze %dma_start3A_144 : memref<1x40xi32, #tpu.memory_space<vmem>> -> memref<40xi32, #tpu.memory_space<vmem>>
          %dma_start3A_146 = arith.constant 0 : i32
          %dma_start3A_147 = arith.constant 0 : i32
          %dma_start3A_148 = tpu.memref_slice %arg19[%dma_start3A_146, %dma_start3A_147] : memref<10240x128xf32, #tpu.memory_space<vmem_shared>> -> memref<10240x128xf32, #tpu.memory_space<vmem_shared>>
          tpu.enqueue_indirect_dma source(%arg12 : memref<40x128xf32, #tpu.memory_space<vmem>>) target(%dma_start3A_148 : memref<10240x128xf32, #tpu.memory_space<vmem_shared>>) offsets(%dma_start3A_145 : memref<40xi32, #tpu.memory_space<vmem>>) semaphore(%run_scoped3A : memref<!tpu.dma_semaphore, #tpu.memory_space<semaphore_mem>>) {add = true}
          %dma_wait3A_149 = arith.constant 0 : i32
          %dma_wait3A_150 = tpu.memref_slice %arg8[%add3A_110, %dma_wait3A_149] : memref<50x40xi32, #tpu.memory_space<vmem>> -> memref<1x40xi32, #tpu.memory_space<vmem>>
          %dma_wait3A_151 = tpu.memref_squeeze %dma_wait3A_150 : memref<1x40xi32, #tpu.memory_space<vmem>> -> memref<40xi32, #tpu.memory_space<vmem>>
          %dma_wait3A_152 = arith.constant 0 : i32
          %dma_wait3A_153 = arith.constant 0 : i32
          %dma_wait3A_154 = tpu.memref_slice %arg19[%dma_wait3A_152, %dma_wait3A_153] : memref<10240x128xf32, #tpu.memory_space<vmem_shared>> -> memref<10240x128xf32, #tpu.memory_space<vmem_shared>>
          tpu.wait_indirect_dma semaphore(%run_scoped3A : memref<!tpu.dma_semaphore, #tpu.memory_space<semaphore_mem>>) src(%arg12 : memref<40x128xf32, #tpu.memory_space<vmem>>) dst(%dma_wait3A_154 : memref<10240x128xf32, #tpu.memory_space<vmem_shared>>)
          tpu.yield
        }) : () -> ()
        %add3A_126 = arith.constant 4 : i32
        %add3A_127 = arith.addi %mul3A_60, %add3A_126 : i32
        %dma_wait3A_128 = arith.constant 0 : i32
        %dma_wait3A_129 = tpu.memref_slice %arg7[%add3A_127, %dma_wait3A_128] : memref<50x40xi32, #tpu.memory_space<vmem>> -> memref<1x40xi32, #tpu.memory_space<vmem>>
        %dma_wait3A_130 = tpu.memref_squeeze %dma_wait3A_129 : memref<1x40xi32, #tpu.memory_space<vmem>> -> memref<40xi32, #tpu.memory_space<vmem>>
        %dma_wait3A_131 = arith.constant 0 : i32
        %dma_wait3A_132 = arith.constant 0 : i32
        %dma_wait3A_133 = tpu.memref_slice %arg2[%dma_wait3A_131, %dma_wait3A_132] : memref<10240x128xf32, #tpu.memory_space<hbm>> -> memref<10240x128xf32, #tpu.memory_space<hbm>>
        tpu.wait_indirect_dma semaphore(%arg18 : memref<!tpu.dma_semaphore, #tpu.memory_space<semaphore_mem>>) src(%dma_wait3A_133 : memref<10240x128xf32, #tpu.memory_space<hbm>>) dst(%arg13 : memref<40x128xf32, #tpu.memory_space<vmem>>)
        %add3A_134 = arith.constant 5 : i32
        %add3A_135 = arith.addi %add3A_127, %add3A_134 : i32
        %sub3A_136 = arith.constant 1 : i32
        %sub3A_137 = arith.subi %add3A_135, %sub3A_136 : i32
        %lt3A_138 = arith.constant 50 : i32
        %lt3A_139 = arith.cmpi slt, %sub3A_137, %lt3A_138 : i32
        %convert_element_type3A_140 = arith.extui %lt3A_139 : i1 to i32
        %cond3A_141 = arith.constant 0 : i32
        %cond3A_142 = arith.cmpi ne, %convert_element_type3A_140, %cond3A_141 : i32
        scf.if %cond3A_142 {
          %dma_start3A_143 = arith.constant 0 : i32
          %dma_start3A_144 = tpu.memref_slice %arg7[%sub3A_137, %dma_start3A_143] : memref<50x40xi32, #tpu.memory_space<vmem>> -> memref<1x40xi32, #tpu.memory_space<vmem>>
          %dma_start3A_145 = tpu.memref_squeeze %dma_start3A_144 : memref<1x40xi32, #tpu.memory_space<vmem>> -> memref<40xi32, #tpu.memory_space<vmem>>
          %dma_start3A_146 = arith.constant 0 : i32
          %dma_start3A_147 = arith.constant 0 : i32
          %dma_start3A_148 = tpu.memref_slice %arg2[%dma_start3A_146, %dma_start3A_147] : memref<10240x128xf32, #tpu.memory_space<hbm>> -> memref<10240x128xf32, #tpu.memory_space<hbm>>
          tpu.enqueue_indirect_dma source(%dma_start3A_148 : memref<10240x128xf32, #tpu.memory_space<hbm>>) target(%arg12 : memref<40x128xf32, #tpu.memory_space<vmem>>) offsets(%dma_start3A_145 : memref<40xi32, #tpu.memory_space<vmem>>) semaphore(%arg17 : memref<!tpu.dma_semaphore, #tpu.memory_space<semaphore_mem>>)
        } else {
        }
        "tpu.region"() ({
          %run_scoped3A = tpu.sem_alloc : memref<!tpu.dma_semaphore, #tpu.memory_space<semaphore_mem>>
          %dma_start3A_143 = arith.constant 0 : i32
          %dma_start3A_144 = tpu.memref_slice %arg8[%add3A_127, %dma_start3A_143] : memref<50x40xi32, #tpu.memory_space<vmem>> -> memref<1x40xi32, #tpu.memory_space<vmem>>
          %dma_start3A_145 = tpu.memref_squeeze %dma_start3A_144 : memref<1x40xi32, #tpu.memory_space<vmem>> -> memref<40xi32, #tpu.memory_space<vmem>>
          %dma_start3A_146 = arith.constant 0 : i32
          %dma_start3A_147 = arith.constant 0 : i32
          %dma_start3A_148 = tpu.memref_slice %arg19[%dma_start3A_146, %dma_start3A_147] : memref<10240x128xf32, #tpu.memory_space<vmem_shared>> -> memref<10240x128xf32, #tpu.memory_space<vmem_shared>>
          tpu.enqueue_indirect_dma source(%arg13 : memref<40x128xf32, #tpu.memory_space<vmem>>) target(%dma_start3A_148 : memref<10240x128xf32, #tpu.memory_space<vmem_shared>>) offsets(%dma_start3A_145 : memref<40xi32, #tpu.memory_space<vmem>>) semaphore(%run_scoped3A : memref<!tpu.dma_semaphore, #tpu.memory_space<semaphore_mem>>) {add = true}
          %dma_wait3A_149 = arith.constant 0 : i32
          %dma_wait3A_150 = tpu.memref_slice %arg8[%add3A_127, %dma_wait3A_149] : memref<50x40xi32, #tpu.memory_space<vmem>> -> memref<1x40xi32, #tpu.memory_space<vmem>>
          %dma_wait3A_151 = tpu.memref_squeeze %dma_wait3A_150 : memref<1x40xi32, #tpu.memory_space<vmem>> -> memref<40xi32, #tpu.memory_space<vmem>>
          %dma_wait3A_152 = arith.constant 0 : i32
          %dma_wait3A_153 = arith.constant 0 : i32
          %dma_wait3A_154 = tpu.memref_slice %arg19[%dma_wait3A_152, %dma_wait3A_153] : memref<10240x128xf32, #tpu.memory_space<vmem_shared>> -> memref<10240x128xf32, #tpu.memory_space<vmem_shared>>
          tpu.wait_indirect_dma semaphore(%run_scoped3A : memref<!tpu.dma_semaphore, #tpu.memory_space<semaphore_mem>>) src(%arg13 : memref<40x128xf32, #tpu.memory_space<vmem>>) dst(%dma_wait3A_154 : memref<10240x128xf32, #tpu.memory_space<vmem_shared>>)
          tpu.yield
        }) : () -> ()
      }
      %scan3A_53 = arith.constant 10 : i32
    }
    %scan3A_11 = arith.constant 5 : i32
    %barrier3A_12 = arith.constant 0 : index
    tpu.barrier barrier_id(%barrier3A_12)
    %mul3A_13 = arith.constant 640 : i32
    %mul3A_14 = arith.muli %arg1, %mul3A_13 : i32
    %mul3A_15 = arith.constant 640 : i32
    %mul3A_16 = arith.muli %arg1, %mul3A_15 : i32
    "tpu.region"() ({
      %run_scoped3A = tpu.sem_alloc : memref<!tpu.dma_semaphore, #tpu.memory_space<semaphore_mem>>
      %dma_start3A = arith.constant 0 : i32
      %dma_start3A_17 = tpu.memref_slice %arg6[%arg0, %mul3A_16, %dma_start3A] : memref<2x10240x128xf32, #tpu.memory_space<hbm>> -> memref<1x640x128xf32, #tpu.memory_space<hbm>>
      %dma_start3A_18 = tpu.memref_squeeze %dma_start3A_17 : memref<1x640x128xf32, #tpu.memory_space<hbm>> -> memref<640x128xf32, #tpu.memory_space<hbm>>
      %dma_start3A_19 = arith.constant 0 : i32
      %dma_start3A_20 = tpu.memref_slice %arg19[%mul3A_14, %dma_start3A_19] : memref<10240x128xf32, #tpu.memory_space<vmem_shared>> -> memref<640x128xf32, #tpu.memory_space<vmem_shared>>
      tpu.enqueue_dma source(%dma_start3A_20 : memref<640x128xf32, #tpu.memory_space<vmem_shared>>) target(%dma_start3A_18 : memref<640x128xf32, #tpu.memory_space<hbm>>) target_semaphore(%run_scoped3A : memref<!tpu.dma_semaphore, #tpu.memory_space<semaphore_mem>>)
      %dma_wait3A = arith.constant 0 : i32
      %dma_wait3A_21 = tpu.memref_slice %arg6[%arg0, %mul3A_16, %dma_wait3A] : memref<2x10240x128xf32, #tpu.memory_space<hbm>> -> memref<1x640x128xf32, #tpu.memory_space<hbm>>
      %dma_wait3A_22 = tpu.memref_squeeze %dma_wait3A_21 : memref<1x640x128xf32, #tpu.memory_space<hbm>> -> memref<640x128xf32, #tpu.memory_space<hbm>>
      %dma_wait3A_23 = arith.constant 0 : i32
      %dma_wait3A_24 = tpu.memref_slice %arg19[%mul3A_14, %dma_wait3A_23] : memref<10240x128xf32, #tpu.memory_space<vmem_shared>> -> memref<640x128xf32, #tpu.memory_space<vmem_shared>>
      tpu.wait_dma2 semaphore(%run_scoped3A : memref<!tpu.dma_semaphore, #tpu.memory_space<semaphore_mem>>) src(%dma_wait3A_24 : memref<640x128xf32, #tpu.memory_space<vmem_shared>>) dst(%dma_wait3A_22 : memref<640x128xf32, #tpu.memory_space<hbm>>)
      tpu.yield
    }) : () -> ()
    return
  }
}

#map = affine_map<(d0, d1) -> (0)>
module attributes {stable_mosaic.version = 14 : i64} {
  func.func @_escore(%arg0: i32, %arg1: i32, %arg2: memref<10240xf32, #tpu.memory_space<hbm>>, %arg3: memref<10240xf32, #tpu.memory_space<hbm>>, %arg4: memref<320000xi32, #tpu.memory_space<hbm>>, %arg5: memref<320000xi32, #tpu.memory_space<hbm>>, %arg6: memref<320000xf32, #tpu.memory_space<hbm>>, %arg7: memref<10240xf32, #tpu.memory_space<vmem>>, %arg8: memref<10240xf32, #tpu.memory_space<vmem>>, %arg9: memref<10000xi32, #tpu.memory_space<vmem>>, %arg10: memref<10000xi32, #tpu.memory_space<vmem>>, %arg11: memref<10000xf32, #tpu.memory_space<vmem>>) attributes {dimension_semantics = [#tpu.dimension_semantics<core_parallel>, #tpu.dimension_semantics<subcore_parallel>], iteration_bounds = array<i64: 2, 16>, scalar_prefetch = 0 : i64, scratch_operands = 5 : i64, tpu.core_type = #tpu.core_type<sc_vector_subcore>, window_params = [{transform_indices = #map}, {transform_indices = #map}, {transform_indices = #map}, {transform_indices = #map}, {transform_indices = #map}]} {
    %mul3A = arith.constant 2 : i32
    %mul3A_0 = arith.muli %arg1, %mul3A : i32
    %add3A = arith.addi %mul3A_0, %arg0 : i32
    %mul3A_1 = arith.constant 10000 : i32
    %mul3A_2 = arith.muli %add3A, %mul3A_1 : i32
    "tpu.region"() ({
      %run_scoped3A = tpu.sem_alloc : memref<!tpu.dma_semaphore, #tpu.memory_space<semaphore_mem>>
      tpu.enqueue_dma source(%arg2 : memref<10240xf32, #tpu.memory_space<hbm>>) target(%arg7 : memref<10240xf32, #tpu.memory_space<vmem>>) target_semaphore(%run_scoped3A : memref<!tpu.dma_semaphore, #tpu.memory_space<semaphore_mem>>)
      tpu.wait_dma2 semaphore(%run_scoped3A : memref<!tpu.dma_semaphore, #tpu.memory_space<semaphore_mem>>) src(%arg2 : memref<10240xf32, #tpu.memory_space<hbm>>) dst(%arg7 : memref<10240xf32, #tpu.memory_space<vmem>>)
      tpu.yield
    }) : () -> ()
    "tpu.region"() ({
      %run_scoped3A = tpu.sem_alloc : memref<!tpu.dma_semaphore, #tpu.memory_space<semaphore_mem>>
      tpu.enqueue_dma source(%arg3 : memref<10240xf32, #tpu.memory_space<hbm>>) target(%arg8 : memref<10240xf32, #tpu.memory_space<vmem>>) target_semaphore(%run_scoped3A : memref<!tpu.dma_semaphore, #tpu.memory_space<semaphore_mem>>)
      tpu.wait_dma2 semaphore(%run_scoped3A : memref<!tpu.dma_semaphore, #tpu.memory_space<semaphore_mem>>) src(%arg3 : memref<10240xf32, #tpu.memory_space<hbm>>) dst(%arg8 : memref<10240xf32, #tpu.memory_space<vmem>>)
      tpu.yield
    }) : () -> ()
    "tpu.region"() ({
      %run_scoped3A = tpu.sem_alloc : memref<!tpu.dma_semaphore, #tpu.memory_space<semaphore_mem>>
      %dma_start3A = tpu.memref_slice %arg4[%mul3A_2] : memref<320000xi32, #tpu.memory_space<hbm>> -> memref<10000xi32, #tpu.memory_space<hbm>>
      %dma_start3A_7 = tpu.memref_slice %arg4[%mul3A_2] : memref<320000xi32, #tpu.memory_space<hbm>> -> memref<10000xi32, #tpu.memory_space<hbm>>
      tpu.enqueue_dma source(%dma_start3A_7 : memref<10000xi32, #tpu.memory_space<hbm>>) target(%arg9 : memref<10000xi32, #tpu.memory_space<vmem>>) target_semaphore(%run_scoped3A : memref<!tpu.dma_semaphore, #tpu.memory_space<semaphore_mem>>)
      %dma_wait3A = tpu.memref_slice %arg4[%mul3A_2] : memref<320000xi32, #tpu.memory_space<hbm>> -> memref<10000xi32, #tpu.memory_space<hbm>>
      %dma_wait3A_8 = tpu.memref_slice %arg4[%mul3A_2] : memref<320000xi32, #tpu.memory_space<hbm>> -> memref<10000xi32, #tpu.memory_space<hbm>>
      tpu.wait_dma2 semaphore(%run_scoped3A : memref<!tpu.dma_semaphore, #tpu.memory_space<semaphore_mem>>) src(%dma_wait3A_8 : memref<10000xi32, #tpu.memory_space<hbm>>) dst(%arg9 : memref<10000xi32, #tpu.memory_space<vmem>>)
      tpu.yield
    }) : () -> ()
    "tpu.region"() ({
      %run_scoped3A = tpu.sem_alloc : memref<!tpu.dma_semaphore, #tpu.memory_space<semaphore_mem>>
      %dma_start3A = tpu.memref_slice %arg5[%mul3A_2] : memref<320000xi32, #tpu.memory_space<hbm>> -> memref<10000xi32, #tpu.memory_space<hbm>>
      %dma_start3A_7 = tpu.memref_slice %arg5[%mul3A_2] : memref<320000xi32, #tpu.memory_space<hbm>> -> memref<10000xi32, #tpu.memory_space<hbm>>
      tpu.enqueue_dma source(%dma_start3A_7 : memref<10000xi32, #tpu.memory_space<hbm>>) target(%arg10 : memref<10000xi32, #tpu.memory_space<vmem>>) target_semaphore(%run_scoped3A : memref<!tpu.dma_semaphore, #tpu.memory_space<semaphore_mem>>)
      %dma_wait3A = tpu.memref_slice %arg5[%mul3A_2] : memref<320000xi32, #tpu.memory_space<hbm>> -> memref<10000xi32, #tpu.memory_space<hbm>>
      %dma_wait3A_8 = tpu.memref_slice %arg5[%mul3A_2] : memref<320000xi32, #tpu.memory_space<hbm>> -> memref<10000xi32, #tpu.memory_space<hbm>>
      tpu.wait_dma2 semaphore(%run_scoped3A : memref<!tpu.dma_semaphore, #tpu.memory_space<semaphore_mem>>) src(%dma_wait3A_8 : memref<10000xi32, #tpu.memory_space<hbm>>) dst(%arg10 : memref<10000xi32, #tpu.memory_space<vmem>>)
      tpu.yield
    }) : () -> ()
    %scan3A = arith.constant 0 : i32
    %scan3A_3 = arith.constant 625 : i32
    %scan3A_4 = arith.addi %scan3A, %scan3A_3 : i32
    %scan3A_5 = arith.constant 1 : i32
    scf.for %scan3A_7 = %scan3A to %scan3A_4 step %scan3A_5  : i32 {
      %mul3A_8 = arith.constant 16 : i32
      %mul3A_9 = arith.muli %scan3A_7, %mul3A_8 : i32
      %add3A_10 = arith.constant 0 : i32
      %add3A_11 = arith.addi %add3A_10, %mul3A_9 : i32
      %get3A = arith.index_cast %add3A_11 : i32 to index
      %get3A_12 = tpu.vector_load %arg9[%get3A] {strides = array<i32>} : memref<10000xi32, #tpu.memory_space<vmem>>, vector<16xi32>,
      %get3A_13 = arith.index_cast %add3A_11 : i32 to index
      %get3A_14 = tpu.vector_load %arg10[%get3A_13] {strides = array<i32>} : memref<10000xi32, #tpu.memory_space<vmem>>, vector<16xi32>,
      %gather3A = tpu.vector_load_idx %arg7[%get3A_12] : memref<10240xf32, #tpu.memory_space<vmem>>[vector<16xi32>], vector<16xf32>,
      %gather3A_15 = tpu.vector_load_idx %arg8[%get3A_14] : memref<10240xf32, #tpu.memory_space<vmem>>[vector<16xi32>], vector<16xf32>,
      %add3A_16 = arith.addf %gather3A, %gather3A_15 : vector<16xf32>
      %swap3A = arith.index_cast %add3A_11 : i32 to index
      %swap3A_17 = tpu.vector_load %arg11[%swap3A] {strides = array<i32>} : memref<10000xf32, #tpu.memory_space<vmem>>, vector<16xf32>,
      tpu.vector_store %arg11[%swap3A], %add3A_16 {strides = array<i32>} : memref<10000xf32, #tpu.memory_space<vmem>>, vector<16xf32>,
    }
    %scan3A_6 = arith.constant 625 : i32
    "tpu.region"() ({
      %run_scoped3A = tpu.sem_alloc : memref<!tpu.dma_semaphore, #tpu.memory_space<semaphore_mem>>
      %dma_start3A = tpu.memref_slice %arg6[%mul3A_2] : memref<320000xf32, #tpu.memory_space<hbm>> -> memref<10000xf32, #tpu.memory_space<hbm>>
      %dma_start3A_7 = tpu.memref_slice %arg6[%mul3A_2] : memref<320000xf32, #tpu.memory_space<hbm>> -> memref<10000xf32, #tpu.memory_space<hbm>>
      tpu.enqueue_dma source(%arg11 : memref<10000xf32, #tpu.memory_space<vmem>>) target(%dma_start3A_7 : memref<10000xf32, #tpu.memory_space<hbm>>) target_semaphore(%run_scoped3A : memref<!tpu.dma_semaphore, #tpu.memory_space<semaphore_mem>>)
      %dma_wait3A = tpu.memref_slice %arg6[%mul3A_2] : memref<320000xf32, #tpu.memory_space<hbm>> -> memref<10000xf32, #tpu.memory_space<hbm>>
      %dma_wait3A_8 = tpu.memref_slice %arg6[%mul3A_2] : memref<320000xf32, #tpu.memory_space<hbm>> -> memref<10000xf32, #tpu.memory_space<hbm>>
      tpu.wait_dma2 semaphore(%run_scoped3A : memref<!tpu.dma_semaphore, #tpu.memory_space<semaphore_mem>>) src(%arg11 : memref<10000xf32, #tpu.memory_space<vmem>>) dst(%dma_wait3A_8 : memref<10000xf32, #tpu.memory_space<hbm>>)
      tpu.yield
    }) : () -> ()
    return
  }
}

#map = affine_map<(d0, d1) -> (0, 0)>
#map1 = affine_map<(d0, d1) -> (0, 0, 0, 0)>
#map2 = affine_map<(d0, d1) -> (0, 0, 0)>
module attributes {stable_mosaic.version = 14 : i64} {
  func.func @_conv(%arg0: i32, %arg1: i32, %arg2: memref<10240x128xf32, #tpu.memory_space<hbm>>, %arg3: memref<10240x128xf32, #tpu.memory_space<hbm>>, %arg4: memref<32x5x50x40xi32, #tpu.memory_space<hbm>>, %arg5: memref<32x5x50x40xi32, #tpu.memory_space<hbm>>, %arg6: memref<2x10240x128xf32, #tpu.memory_space<hbm>>, %arg7: memref<50x40xi32, #tpu.memory_space<vmem>>, %arg8: memref<50x40xi32, #tpu.memory_space<vmem>>, %arg9: memref<40x128xf32, #tpu.memory_space<vmem>>, %arg10: memref<40x128xf32, #tpu.memory_space<vmem>>, %arg11: memref<40x128xf32, #tpu.memory_space<vmem>>, %arg12: memref<40x128xf32, #tpu.memory_space<vmem>>, %arg13: memref<40x128xf32, #tpu.memory_space<vmem>>, %arg14: memref<!tpu.dma_semaphore, #tpu.memory_space<semaphore_mem>>, %arg15: memref<!tpu.dma_semaphore, #tpu.memory_space<semaphore_mem>>, %arg16: memref<!tpu.dma_semaphore, #tpu.memory_space<semaphore_mem>>, %arg17: memref<!tpu.dma_semaphore, #tpu.memory_space<semaphore_mem>>, %arg18: memref<!tpu.dma_semaphore, #tpu.memory_space<semaphore_mem>>, %arg19: memref<10240x128xf32, #tpu.memory_space<vmem_shared>>) attributes {dimension_semantics = [#tpu.dimension_semantics<core_parallel>, #tpu.dimension_semantics<subcore_parallel>], iteration_bounds = array<i64: 2, 16>, scalar_prefetch = 0 : i64, scratch_operands = 13 : i64, tpu.core_type = #tpu.core_type<sc_vector_subcore>, window_params = [{transform_indices = #map}, {transform_indices = #map}, {transform_indices = #map1}, {transform_indices = #map1}, {transform_indices = #map2}]} {
    %mul3A = arith.constant 2 : i32
    %mul3A_0 = arith.muli %arg1, %mul3A : i32
    %add3A = arith.addi %mul3A_0, %arg0 : i32
    %eq3A = arith.constant 0 : i32
    %eq3A_1 = arith.cmpi eq, %arg0, %eq3A : i32
    %convert_element_type3A = arith.extui %eq3A_1 : i1 to i32
    %cond3A = arith.constant 0 : i32
    %cond3A_2 = arith.cmpi ne, %convert_element_type3A, %cond3A : i32
    scf.if %cond3A_2 {
      %mul3A_17 = arith.constant 640 : i32
      %mul3A_18 = arith.muli %arg1, %mul3A_17 : i32
      %mul3A_19 = arith.constant 640 : i32
      %mul3A_20 = arith.muli %arg1, %mul3A_19 : i32
      "tpu.region"() ({
        %run_scoped3A = tpu.sem_alloc : memref<!tpu.dma_semaphore, #tpu.memory_space<semaphore_mem>>
        %dma_start3A = arith.constant 0 : i32
        %dma_start3A_21 = tpu.memref_slice %arg19[%mul3A_20, %dma_start3A] : memref<10240x128xf32, #tpu.memory_space<vmem_shared>> -> memref<640x128xf32, #tpu.memory_space<vmem_shared>>
        %dma_start3A_22 = arith.constant 0 : i32
        %dma_start3A_23 = tpu.memref_slice %arg2[%mul3A_18, %dma_start3A_22] : memref<10240x128xf32, #tpu.memory_space<hbm>> -> memref<640x128xf32, #tpu.memory_space<hbm>>
        tpu.enqueue_dma source(%dma_start3A_23 : memref<640x128xf32, #tpu.memory_space<hbm>>) target(%dma_start3A_21 : memref<640x128xf32, #tpu.memory_space<vmem_shared>>) target_semaphore(%run_scoped3A : memref<!tpu.dma_semaphore, #tpu.memory_space<semaphore_mem>>)
        %dma_wait3A = arith.constant 0 : i32
        %dma_wait3A_24 = tpu.memref_slice %arg19[%mul3A_20, %dma_wait3A] : memref<10240x128xf32, #tpu.memory_space<vmem_shared>> -> memref<640x128xf32, #tpu.memory_space<vmem_shared>>
        %dma_wait3A_25 = arith.constant 0 : i32
        %dma_wait3A_26 = tpu.memref_slice %arg2[%mul3A_18, %dma_wait3A_25] : memref<10240x128xf32, #tpu.memory_space<hbm>> -> memref<640x128xf32, #tpu.memory_space<hbm>>
        tpu.wait_dma2 semaphore(%run_scoped3A : memref<!tpu.dma_semaphore, #tpu.memory_space<semaphore_mem>>) src(%dma_wait3A_26 : memref<640x128xf32, #tpu.memory_space<hbm>>) dst(%dma_wait3A_24 : memref<640x128xf32, #tpu.memory_space<vmem_shared>>)
        tpu.yield
      }) : () -> ()
    } else {
    }
    %eq3A_3 = arith.constant 1 : i32
    %eq3A_4 = arith.cmpi eq, %arg0, %eq3A_3 : i32
    %convert_element_type3A_5 = arith.extui %eq3A_4 : i1 to i32
    %cond3A_6 = arith.constant 0 : i32
    %cond3A_7 = arith.cmpi ne, %convert_element_type3A_5, %cond3A_6 : i32
    scf.if %cond3A_7 {
      %mul3A_17 = arith.constant 640 : i32
      %mul3A_18 = arith.muli %arg1, %mul3A_17 : i32
      %mul3A_19 = arith.constant 640 : i32
      %mul3A_20 = arith.muli %arg1, %mul3A_19 : i32
      "tpu.region"() ({
        %run_scoped3A = tpu.sem_alloc : memref<!tpu.dma_semaphore, #tpu.memory_space<semaphore_mem>>
        %dma_start3A = arith.constant 0 : i32
        %dma_start3A_21 = tpu.memref_slice %arg19[%mul3A_20, %dma_start3A] : memref<10240x128xf32, #tpu.memory_space<vmem_shared>> -> memref<640x128xf32, #tpu.memory_space<vmem_shared>>
        %dma_start3A_22 = arith.constant 0 : i32
        %dma_start3A_23 = tpu.memref_slice %arg3[%mul3A_18, %dma_start3A_22] : memref<10240x128xf32, #tpu.memory_space<hbm>> -> memref<640x128xf32, #tpu.memory_space<hbm>>
        tpu.enqueue_dma source(%dma_start3A_23 : memref<640x128xf32, #tpu.memory_space<hbm>>) target(%dma_start3A_21 : memref<640x128xf32, #tpu.memory_space<vmem_shared>>) target_semaphore(%run_scoped3A : memref<!tpu.dma_semaphore, #tpu.memory_space<semaphore_mem>>)
        %dma_wait3A = arith.constant 0 : i32
        %dma_wait3A_24 = tpu.memref_slice %arg19[%mul3A_20, %dma_wait3A] : memref<10240x128xf32, #tpu.memory_space<vmem_shared>> -> memref<640x128xf32, #tpu.memory_space<vmem_shared>>
        %dma_wait3A_25 = arith.constant 0 : i32
        %dma_wait3A_26 = tpu.memref_slice %arg3[%mul3A_18, %dma_wait3A_25] : memref<10240x128xf32, #tpu.memory_space<hbm>> -> memref<640x128xf32, #tpu.memory_space<hbm>>
        tpu.wait_dma2 semaphore(%run_scoped3A : memref<!tpu.dma_semaphore, #tpu.memory_space<semaphore_mem>>) src(%dma_wait3A_26 : memref<640x128xf32, #tpu.memory_space<hbm>>) dst(%dma_wait3A_24 : memref<640x128xf32, #tpu.memory_space<vmem_shared>>)
        tpu.yield
      }) : () -> ()
    } else {
    }
    %barrier3A = arith.constant 0 : index
    tpu.barrier barrier_id(%barrier3A)
    %scan3A = arith.constant 0 : i32
    %scan3A_8 = arith.constant 5 : i32
    %scan3A_9 = arith.addi %scan3A, %scan3A_8 : i32
    %scan3A_10 = arith.constant 1 : i32
    scf.for %scan3A_17 = %scan3A to %scan3A_9 step %scan3A_10  : i32 {
      %mul3A_18 = arith.constant 1 : i32
      %mul3A_19 = arith.muli %scan3A_17, %mul3A_18 : i32
      %add3A_20 = arith.constant 0 : i32
      %add3A_21 = arith.addi %add3A_20, %mul3A_19 : i32
      "tpu.region"() ({
        %run_scoped3A = tpu.sem_alloc : memref<!tpu.dma_semaphore, #tpu.memory_space<semaphore_mem>>
        %dma_start3A_54 = arith.constant 0 : i32
        %dma_start3A_55 = arith.constant 0 : i32
        %dma_start3A_56 = tpu.memref_slice %arg4[%add3A, %add3A_21, %dma_start3A_54, %dma_start3A_55] : memref<32x5x50x40xi32, #tpu.memory_space<hbm>> -> memref<1x1x50x40xi32, #tpu.memory_space<hbm>>
        %dma_start3A_57 = tpu.memref_squeeze %dma_start3A_56 : memref<1x1x50x40xi32, #tpu.memory_space<hbm>> -> memref<50x40xi32, #tpu.memory_space<hbm>>
        %dma_start3A_58 = arith.constant 0 : i32
        %dma_start3A_59 = arith.constant 0 : i32
        %dma_start3A_60 = tpu.memref_slice %arg4[%add3A, %add3A_21, %dma_start3A_58, %dma_start3A_59] : memref<32x5x50x40xi32, #tpu.memory_space<hbm>> -> memref<1x1x50x40xi32, #tpu.memory_space<hbm>>
        %dma_start3A_61 = tpu.memref_squeeze %dma_start3A_60 : memref<1x1x50x40xi32, #tpu.memory_space<hbm>> -> memref<50x40xi32, #tpu.memory_space<hbm>>
        tpu.enqueue_dma source(%dma_start3A_61 : memref<50x40xi32, #tpu.memory_space<hbm>>) target(%arg7 : memref<50x40xi32, #tpu.memory_space<vmem>>) target_semaphore(%run_scoped3A : memref<!tpu.dma_semaphore, #tpu.memory_space<semaphore_mem>>)
        %dma_wait3A = arith.constant 0 : i32
        %dma_wait3A_62 = arith.constant 0 : i32
        %dma_wait3A_63 = tpu.memref_slice %arg4[%add3A, %add3A_21, %dma_wait3A, %dma_wait3A_62] : memref<32x5x50x40xi32, #tpu.memory_space<hbm>> -> memref<1x1x50x40xi32, #tpu.memory_space<hbm>>
        %dma_wait3A_64 = tpu.memref_squeeze %dma_wait3A_63 : memref<1x1x50x40xi32, #tpu.memory_space<hbm>> -> memref<50x40xi32, #tpu.memory_space<hbm>>
        %dma_wait3A_65 = arith.constant 0 : i32
        %dma_wait3A_66 = arith.constant 0 : i32
        %dma_wait3A_67 = tpu.memref_slice %arg4[%add3A, %add3A_21, %dma_wait3A_65, %dma_wait3A_66] : memref<32x5x50x40xi32, #tpu.memory_space<hbm>> -> memref<1x1x50x40xi32, #tpu.memory_space<hbm>>
        %dma_wait3A_68 = tpu.memref_squeeze %dma_wait3A_67 : memref<1x1x50x40xi32, #tpu.memory_space<hbm>> -> memref<50x40xi32, #tpu.memory_space<hbm>>
        tpu.wait_dma2 semaphore(%run_scoped3A : memref<!tpu.dma_semaphore, #tpu.memory_space<semaphore_mem>>) src(%dma_wait3A_68 : memref<50x40xi32, #tpu.memory_space<hbm>>) dst(%arg7 : memref<50x40xi32, #tpu.memory_space<vmem>>)
        tpu.yield
      }) : () -> ()
      "tpu.region"() ({
        %run_scoped3A = tpu.sem_alloc : memref<!tpu.dma_semaphore, #tpu.memory_space<semaphore_mem>>
        %dma_start3A_54 = arith.constant 0 : i32
        %dma_start3A_55 = arith.constant 0 : i32
        %dma_start3A_56 = tpu.memref_slice %arg5[%add3A, %add3A_21, %dma_start3A_54, %dma_start3A_55] : memref<32x5x50x40xi32, #tpu.memory_space<hbm>> -> memref<1x1x50x40xi32, #tpu.memory_space<hbm>>
        %dma_start3A_57 = tpu.memref_squeeze %dma_start3A_56 : memref<1x1x50x40xi32, #tpu.memory_space<hbm>> -> memref<50x40xi32, #tpu.memory_space<hbm>>
        %dma_start3A_58 = arith.constant 0 : i32
        %dma_start3A_59 = arith.constant 0 : i32
        %dma_start3A_60 = tpu.memref_slice %arg5[%add3A, %add3A_21, %dma_start3A_58, %dma_start3A_59] : memref<32x5x50x40xi32, #tpu.memory_space<hbm>> -> memref<1x1x50x40xi32, #tpu.memory_space<hbm>>
        %dma_start3A_61 = tpu.memref_squeeze %dma_start3A_60 : memref<1x1x50x40xi32, #tpu.memory_space<hbm>> -> memref<50x40xi32, #tpu.memory_space<hbm>>
        tpu.enqueue_dma source(%dma_start3A_61 : memref<50x40xi32, #tpu.memory_space<hbm>>) target(%arg8 : memref<50x40xi32, #tpu.memory_space<vmem>>) target_semaphore(%run_scoped3A : memref<!tpu.dma_semaphore, #tpu.memory_space<semaphore_mem>>)
        %dma_wait3A = arith.constant 0 : i32
        %dma_wait3A_62 = arith.constant 0 : i32
        %dma_wait3A_63 = tpu.memref_slice %arg5[%add3A, %add3A_21, %dma_wait3A, %dma_wait3A_62] : memref<32x5x50x40xi32, #tpu.memory_space<hbm>> -> memref<1x1x50x40xi32, #tpu.memory_space<hbm>>
        %dma_wait3A_64 = tpu.memref_squeeze %dma_wait3A_63 : memref<1x1x50x40xi32, #tpu.memory_space<hbm>> -> memref<50x40xi32, #tpu.memory_space<hbm>>
        %dma_wait3A_65 = arith.constant 0 : i32
        %dma_wait3A_66 = arith.constant 0 : i32
        %dma_wait3A_67 = tpu.memref_slice %arg5[%add3A, %add3A_21, %dma_wait3A_65, %dma_wait3A_66] : memref<32x5x50x40xi32, #tpu.memory_space<hbm>> -> memref<1x1x50x40xi32, #tpu.memory_space<hbm>>
        %dma_wait3A_68 = tpu.memref_squeeze %dma_wait3A_67 : memref<1x1x50x40xi32, #tpu.memory_space<hbm>> -> memref<50x40xi32, #tpu.memory_space<hbm>>
        tpu.wait_dma2 semaphore(%run_scoped3A : memref<!tpu.dma_semaphore, #tpu.memory_space<semaphore_mem>>) src(%dma_wait3A_68 : memref<50x40xi32, #tpu.memory_space<hbm>>) dst(%arg8 : memref<50x40xi32, #tpu.memory_space<vmem>>)
        tpu.yield
      }) : () -> ()
      %dma_start3A = arith.constant 0 : i32
      %dma_start3A_22 = arith.constant 0 : i32
      %dma_start3A_23 = tpu.memref_slice %arg7[%dma_start3A, %dma_start3A_22] : memref<50x40xi32, #tpu.memory_space<vmem>> -> memref<1x40xi32, #tpu.memory_space<vmem>>
      %dma_start3A_24 = tpu.memref_squeeze %dma_start3A_23 : memref<1x40xi32, #tpu.memory_space<vmem>> -> memref<40xi32, #tpu.memory_space<vmem>>
      %dma_start3A_25 = arith.constant 0 : i32
      %dma_start3A_26 = arith.constant 0 : i32
      %dma_start3A_27 = tpu.memref_slice %arg2[%dma_start3A_25, %dma_start3A_26] : memref<10240x128xf32, #tpu.memory_space<hbm>> -> memref<10240x128xf32, #tpu.memory_space<hbm>>
      tpu.enqueue_indirect_dma source(%dma_start3A_27 : memref<10240x128xf32, #tpu.memory_space<hbm>>) target(%arg9 : memref<40x128xf32, #tpu.memory_space<vmem>>) offsets(%dma_start3A_24 : memref<40xi32, #tpu.memory_space<vmem>>) semaphore(%arg14 : memref<!tpu.dma_semaphore, #tpu.memory_space<semaphore_mem>>)
      %dma_start3A_28 = arith.constant 1 : i32
      %dma_start3A_29 = arith.constant 0 : i32
      %dma_start3A_30 = tpu.memref_slice %arg7[%dma_start3A_28, %dma_start3A_29] : memref<50x40xi32, #tpu.memory_space<vmem>> -> memref<1x40xi32, #tpu.memory_space<vmem>>
      %dma_start3A_31 = tpu.memref_squeeze %dma_start3A_30 : memref<1x40xi32, #tpu.memory_space<vmem>> -> memref<40xi32, #tpu.memory_space<vmem>>
      %dma_start3A_32 = arith.constant 0 : i32
      %dma_start3A_33 = arith.constant 0 : i32
      %dma_start3A_34 = tpu.memref_slice %arg2[%dma_start3A_32, %dma_start3A_33] : memref<10240x128xf32, #tpu.memory_space<hbm>> -> memref<10240x128xf32, #tpu.memory_space<hbm>>
      tpu.enqueue_indirect_dma source(%dma_start3A_34 : memref<10240x128xf32, #tpu.memory_space<hbm>>) target(%arg10 : memref<40x128xf32, #tpu.memory_space<vmem>>) offsets(%dma_start3A_31 : memref<40xi32, #tpu.memory_space<vmem>>) semaphore(%arg15 : memref<!tpu.dma_semaphore, #tpu.memory_space<semaphore_mem>>)
      %dma_start3A_35 = arith.constant 2 : i32
      %dma_start3A_36 = arith.constant 0 : i32
      %dma_start3A_37 = tpu.memref_slice %arg7[%dma_start3A_35, %dma_start3A_36] : memref<50x40xi32, #tpu.memory_space<vmem>> -> memref<1x40xi32, #tpu.memory_space<vmem>>
      %dma_start3A_38 = tpu.memref_squeeze %dma_start3A_37 : memref<1x40xi32, #tpu.memory_space<vmem>> -> memref<40xi32, #tpu.memory_space<vmem>>
      %dma_start3A_39 = arith.constant 0 : i32
      %dma_start3A_40 = arith.constant 0 : i32
      %dma_start3A_41 = tpu.memref_slice %arg2[%dma_start3A_39, %dma_start3A_40] : memref<10240x128xf32, #tpu.memory_space<hbm>> -> memref<10240x128xf32, #tpu.memory_space<hbm>>
      tpu.enqueue_indirect_dma source(%dma_start3A_41 : memref<10240x128xf32, #tpu.memory_space<hbm>>) target(%arg11 : memref<40x128xf32, #tpu.memory_space<vmem>>) offsets(%dma_start3A_38 : memref<40xi32, #tpu.memory_space<vmem>>) semaphore(%arg16 : memref<!tpu.dma_semaphore, #tpu.memory_space<semaphore_mem>>)
      %dma_start3A_42 = arith.constant 3 : i32
      %dma_start3A_43 = arith.constant 0 : i32
      %dma_start3A_44 = tpu.memref_slice %arg7[%dma_start3A_42, %dma_start3A_43] : memref<50x40xi32, #tpu.memory_space<vmem>> -> memref<1x40xi32, #tpu.memory_space<vmem>>
      %dma_start3A_45 = tpu.memref_squeeze %dma_start3A_44 : memref<1x40xi32, #tpu.memory_space<vmem>> -> memref<40xi32, #tpu.memory_space<vmem>>
      %dma_start3A_46 = arith.constant 0 : i32
      %dma_start3A_47 = arith.constant 0 : i32
      %dma_start3A_48 = tpu.memref_slice %arg2[%dma_start3A_46, %dma_start3A_47] : memref<10240x128xf32, #tpu.memory_space<hbm>> -> memref<10240x128xf32, #tpu.memory_space<hbm>>
      tpu.enqueue_indirect_dma source(%dma_start3A_48 : memref<10240x128xf32, #tpu.memory_space<hbm>>) target(%arg12 : memref<40x128xf32, #tpu.memory_space<vmem>>) offsets(%dma_start3A_45 : memref<40xi32, #tpu.memory_space<vmem>>) semaphore(%arg17 : memref<!tpu.dma_semaphore, #tpu.memory_space<semaphore_mem>>)
      %scan3A_49 = arith.constant 0 : i32
      %scan3A_50 = arith.constant 10 : i32
      %scan3A_51 = arith.addi %scan3A_49, %scan3A_50 : i32
      %scan3A_52 = arith.constant 1 : i32
      scf.for %scan3A_54 = %scan3A_49 to %scan3A_51 step %scan3A_52  : i32 {
        %mul3A_55 = arith.constant 1 : i32
        %mul3A_56 = arith.muli %scan3A_54, %mul3A_55 : i32
        %add3A_57 = arith.constant 0 : i32
        %add3A_58 = arith.addi %add3A_57, %mul3A_56 : i32
        %mul3A_59 = arith.constant 5 : i32
        %mul3A_60 = arith.muli %add3A_58, %mul3A_59 : i32
        %add3A_61 = arith.constant 0 : i32
        %add3A_62 = arith.addi %mul3A_60, %add3A_61 : i32
        %dma_wait3A = arith.constant 0 : i32
        %dma_wait3A_63 = tpu.memref_slice %arg7[%add3A_62, %dma_wait3A] : memref<50x40xi32, #tpu.memory_space<vmem>> -> memref<1x40xi32, #tpu.memory_space<vmem>>
        %dma_wait3A_64 = tpu.memref_squeeze %dma_wait3A_63 : memref<1x40xi32, #tpu.memory_space<vmem>> -> memref<40xi32, #tpu.memory_space<vmem>>
        %dma_wait3A_65 = arith.constant 0 : i32
        %dma_wait3A_66 = arith.constant 0 : i32
        %dma_wait3A_67 = tpu.memref_slice %arg2[%dma_wait3A_65, %dma_wait3A_66] : memref<10240x128xf32, #tpu.memory_space<hbm>> -> memref<10240x128xf32, #tpu.memory_space<hbm>>
        tpu.wait_indirect_dma semaphore(%arg14 : memref<!tpu.dma_semaphore, #tpu.memory_space<semaphore_mem>>) src(%dma_wait3A_67 : memref<10240x128xf32, #tpu.memory_space<hbm>>) dst(%arg9 : memref<40x128xf32, #tpu.memory_space<vmem>>)
        %add3A_68 = arith.constant 5 : i32
        %add3A_69 = arith.addi %add3A_62, %add3A_68 : i32
        %sub3A = arith.constant 1 : i32
        %sub3A_70 = arith.subi %add3A_69, %sub3A : i32
        %lt3A = arith.constant 50 : i32
        %lt3A_71 = arith.cmpi slt, %sub3A_70, %lt3A : i32
        %convert_element_type3A_72 = arith.extui %lt3A_71 : i1 to i32
        %cond3A_73 = arith.constant 0 : i32
        %cond3A_74 = arith.cmpi ne, %convert_element_type3A_72, %cond3A_73 : i32
        scf.if %cond3A_74 {
          %dma_start3A_143 = arith.constant 0 : i32
          %dma_start3A_144 = tpu.memref_slice %arg7[%sub3A_70, %dma_start3A_143] : memref<50x40xi32, #tpu.memory_space<vmem>> -> memref<1x40xi32, #tpu.memory_space<vmem>>
          %dma_start3A_145 = tpu.memref_squeeze %dma_start3A_144 : memref<1x40xi32, #tpu.memory_space<vmem>> -> memref<40xi32, #tpu.memory_space<vmem>>
          %dma_start3A_146 = arith.constant 0 : i32
          %dma_start3A_147 = arith.constant 0 : i32
          %dma_start3A_148 = tpu.memref_slice %arg2[%dma_start3A_146, %dma_start3A_147] : memref<10240x128xf32, #tpu.memory_space<hbm>> -> memref<10240x128xf32, #tpu.memory_space<hbm>>
          tpu.enqueue_indirect_dma source(%dma_start3A_148 : memref<10240x128xf32, #tpu.memory_space<hbm>>) target(%arg13 : memref<40x128xf32, #tpu.memory_space<vmem>>) offsets(%dma_start3A_145 : memref<40xi32, #tpu.memory_space<vmem>>) semaphore(%arg18 : memref<!tpu.dma_semaphore, #tpu.memory_space<semaphore_mem>>)
        } else {
        }
        "tpu.region"() ({
          %run_scoped3A = tpu.sem_alloc : memref<!tpu.dma_semaphore, #tpu.memory_space<semaphore_mem>>
          %dma_start3A_143 = arith.constant 0 : i32
          %dma_start3A_144 = tpu.memref_slice %arg8[%add3A_62, %dma_start3A_143] : memref<50x40xi32, #tpu.memory_space<vmem>> -> memref<1x40xi32, #tpu.memory_space<vmem>>
          %dma_start3A_145 = tpu.memref_squeeze %dma_start3A_144 : memref<1x40xi32, #tpu.memory_space<vmem>> -> memref<40xi32, #tpu.memory_space<vmem>>
          %dma_start3A_146 = arith.constant 0 : i32
          %dma_start3A_147 = arith.constant 0 : i32
          %dma_start3A_148 = tpu.memref_slice %arg19[%dma_start3A_146, %dma_start3A_147] : memref<10240x128xf32, #tpu.memory_space<vmem_shared>> -> memref<10240x128xf32, #tpu.memory_space<vmem_shared>>
          tpu.enqueue_indirect_dma source(%arg9 : memref<40x128xf32, #tpu.memory_space<vmem>>) target(%dma_start3A_148 : memref<10240x128xf32, #tpu.memory_space<vmem_shared>>) offsets(%dma_start3A_145 : memref<40xi32, #tpu.memory_space<vmem>>) semaphore(%run_scoped3A : memref<!tpu.dma_semaphore, #tpu.memory_space<semaphore_mem>>) {add = true}
          %dma_wait3A_149 = arith.constant 0 : i32
          %dma_wait3A_150 = tpu.memref_slice %arg8[%add3A_62, %dma_wait3A_149] : memref<50x40xi32, #tpu.memory_space<vmem>> -> memref<1x40xi32, #tpu.memory_space<vmem>>
          %dma_wait3A_151 = tpu.memref_squeeze %dma_wait3A_150 : memref<1x40xi32, #tpu.memory_space<vmem>> -> memref<40xi32, #tpu.memory_space<vmem>>
          %dma_wait3A_152 = arith.constant 0 : i32
          %dma_wait3A_153 = arith.constant 0 : i32
          %dma_wait3A_154 = tpu.memref_slice %arg19[%dma_wait3A_152, %dma_wait3A_153] : memref<10240x128xf32, #tpu.memory_space<vmem_shared>> -> memref<10240x128xf32, #tpu.memory_space<vmem_shared>>
          tpu.wait_indirect_dma semaphore(%run_scoped3A : memref<!tpu.dma_semaphore, #tpu.memory_space<semaphore_mem>>) src(%arg9 : memref<40x128xf32, #tpu.memory_space<vmem>>) dst(%dma_wait3A_154 : memref<10240x128xf32, #tpu.memory_space<vmem_shared>>)
          tpu.yield
        }) : () -> ()
        %add3A_75 = arith.constant 1 : i32
        %add3A_76 = arith.addi %mul3A_60, %add3A_75 : i32
        %dma_wait3A_77 = arith.constant 0 : i32
        %dma_wait3A_78 = tpu.memref_slice %arg7[%add3A_76, %dma_wait3A_77] : memref<50x40xi32, #tpu.memory_space<vmem>> -> memref<1x40xi32, #tpu.memory_space<vmem>>
        %dma_wait3A_79 = tpu.memref_squeeze %dma_wait3A_78 : memref<1x40xi32, #tpu.memory_space<vmem>> -> memref<40xi32, #tpu.memory_space<vmem>>
        %dma_wait3A_80 = arith.constant 0 : i32
        %dma_wait3A_81 = arith.constant 0 : i32
        %dma_wait3A_82 = tpu.memref_slice %arg2[%dma_wait3A_80, %dma_wait3A_81] : memref<10240x128xf32, #tpu.memory_space<hbm>> -> memref<10240x128xf32, #tpu.memory_space<hbm>>
        tpu.wait_indirect_dma semaphore(%arg15 : memref<!tpu.dma_semaphore, #tpu.memory_space<semaphore_mem>>) src(%dma_wait3A_82 : memref<10240x128xf32, #tpu.memory_space<hbm>>) dst(%arg10 : memref<40x128xf32, #tpu.memory_space<vmem>>)
        %add3A_83 = arith.constant 5 : i32
        %add3A_84 = arith.addi %add3A_76, %add3A_83 : i32
        %sub3A_85 = arith.constant 1 : i32
        %sub3A_86 = arith.subi %add3A_84, %sub3A_85 : i32
        %lt3A_87 = arith.constant 50 : i32
        %lt3A_88 = arith.cmpi slt, %sub3A_86, %lt3A_87 : i32
        %convert_element_type3A_89 = arith.extui %lt3A_88 : i1 to i32
        %cond3A_90 = arith.constant 0 : i32
        %cond3A_91 = arith.cmpi ne, %convert_element_type3A_89, %cond3A_90 : i32
        scf.if %cond3A_91 {
          %dma_start3A_143 = arith.constant 0 : i32
          %dma_start3A_144 = tpu.memref_slice %arg7[%sub3A_86, %dma_start3A_143] : memref<50x40xi32, #tpu.memory_space<vmem>> -> memref<1x40xi32, #tpu.memory_space<vmem>>
          %dma_start3A_145 = tpu.memref_squeeze %dma_start3A_144 : memref<1x40xi32, #tpu.memory_space<vmem>> -> memref<40xi32, #tpu.memory_space<vmem>>
          %dma_start3A_146 = arith.constant 0 : i32
          %dma_start3A_147 = arith.constant 0 : i32
          %dma_start3A_148 = tpu.memref_slice %arg2[%dma_start3A_146, %dma_start3A_147] : memref<10240x128xf32, #tpu.memory_space<hbm>> -> memref<10240x128xf32, #tpu.memory_space<hbm>>
          tpu.enqueue_indirect_dma source(%dma_start3A_148 : memref<10240x128xf32, #tpu.memory_space<hbm>>) target(%arg9 : memref<40x128xf32, #tpu.memory_space<vmem>>) offsets(%dma_start3A_145 : memref<40xi32, #tpu.memory_space<vmem>>) semaphore(%arg14 : memref<!tpu.dma_semaphore, #tpu.memory_space<semaphore_mem>>)
        } else {
        }
        "tpu.region"() ({
          %run_scoped3A = tpu.sem_alloc : memref<!tpu.dma_semaphore, #tpu.memory_space<semaphore_mem>>
          %dma_start3A_143 = arith.constant 0 : i32
          %dma_start3A_144 = tpu.memref_slice %arg8[%add3A_76, %dma_start3A_143] : memref<50x40xi32, #tpu.memory_space<vmem>> -> memref<1x40xi32, #tpu.memory_space<vmem>>
          %dma_start3A_145 = tpu.memref_squeeze %dma_start3A_144 : memref<1x40xi32, #tpu.memory_space<vmem>> -> memref<40xi32, #tpu.memory_space<vmem>>
          %dma_start3A_146 = arith.constant 0 : i32
          %dma_start3A_147 = arith.constant 0 : i32
          %dma_start3A_148 = tpu.memref_slice %arg19[%dma_start3A_146, %dma_start3A_147] : memref<10240x128xf32, #tpu.memory_space<vmem_shared>> -> memref<10240x128xf32, #tpu.memory_space<vmem_shared>>
          tpu.enqueue_indirect_dma source(%arg10 : memref<40x128xf32, #tpu.memory_space<vmem>>) target(%dma_start3A_148 : memref<10240x128xf32, #tpu.memory_space<vmem_shared>>) offsets(%dma_start3A_145 : memref<40xi32, #tpu.memory_space<vmem>>) semaphore(%run_scoped3A : memref<!tpu.dma_semaphore, #tpu.memory_space<semaphore_mem>>) {add = true}
          %dma_wait3A_149 = arith.constant 0 : i32
          %dma_wait3A_150 = tpu.memref_slice %arg8[%add3A_76, %dma_wait3A_149] : memref<50x40xi32, #tpu.memory_space<vmem>> -> memref<1x40xi32, #tpu.memory_space<vmem>>
          %dma_wait3A_151 = tpu.memref_squeeze %dma_wait3A_150 : memref<1x40xi32, #tpu.memory_space<vmem>> -> memref<40xi32, #tpu.memory_space<vmem>>
          %dma_wait3A_152 = arith.constant 0 : i32
          %dma_wait3A_153 = arith.constant 0 : i32
          %dma_wait3A_154 = tpu.memref_slice %arg19[%dma_wait3A_152, %dma_wait3A_153] : memref<10240x128xf32, #tpu.memory_space<vmem_shared>> -> memref<10240x128xf32, #tpu.memory_space<vmem_shared>>
          tpu.wait_indirect_dma semaphore(%run_scoped3A : memref<!tpu.dma_semaphore, #tpu.memory_space<semaphore_mem>>) src(%arg10 : memref<40x128xf32, #tpu.memory_space<vmem>>) dst(%dma_wait3A_154 : memref<10240x128xf32, #tpu.memory_space<vmem_shared>>)
          tpu.yield
        }) : () -> ()
        %add3A_92 = arith.constant 2 : i32
        %add3A_93 = arith.addi %mul3A_60, %add3A_92 : i32
        %dma_wait3A_94 = arith.constant 0 : i32
        %dma_wait3A_95 = tpu.memref_slice %arg7[%add3A_93, %dma_wait3A_94] : memref<50x40xi32, #tpu.memory_space<vmem>> -> memref<1x40xi32, #tpu.memory_space<vmem>>
        %dma_wait3A_96 = tpu.memref_squeeze %dma_wait3A_95 : memref<1x40xi32, #tpu.memory_space<vmem>> -> memref<40xi32, #tpu.memory_space<vmem>>
        %dma_wait3A_97 = arith.constant 0 : i32
        %dma_wait3A_98 = arith.constant 0 : i32
        %dma_wait3A_99 = tpu.memref_slice %arg2[%dma_wait3A_97, %dma_wait3A_98] : memref<10240x128xf32, #tpu.memory_space<hbm>> -> memref<10240x128xf32, #tpu.memory_space<hbm>>
        tpu.wait_indirect_dma semaphore(%arg16 : memref<!tpu.dma_semaphore, #tpu.memory_space<semaphore_mem>>) src(%dma_wait3A_99 : memref<10240x128xf32, #tpu.memory_space<hbm>>) dst(%arg11 : memref<40x128xf32, #tpu.memory_space<vmem>>)
        %add3A_100 = arith.constant 5 : i32
        %add3A_101 = arith.addi %add3A_93, %add3A_100 : i32
        %sub3A_102 = arith.constant 1 : i32
        %sub3A_103 = arith.subi %add3A_101, %sub3A_102 : i32
        %lt3A_104 = arith.constant 50 : i32
        %lt3A_105 = arith.cmpi slt, %sub3A_103, %lt3A_104 : i32
        %convert_element_type3A_106 = arith.extui %lt3A_105 : i1 to i32
        %cond3A_107 = arith.constant 0 : i32
        %cond3A_108 = arith.cmpi ne, %convert_element_type3A_106, %cond3A_107 : i32
        scf.if %cond3A_108 {
          %dma_start3A_143 = arith.constant 0 : i32
          %dma_start3A_144 = tpu.memref_slice %arg7[%sub3A_103, %dma_start3A_143] : memref<50x40xi32, #tpu.memory_space<vmem>> -> memref<1x40xi32, #tpu.memory_space<vmem>>
          %dma_start3A_145 = tpu.memref_squeeze %dma_start3A_144 : memref<1x40xi32, #tpu.memory_space<vmem>> -> memref<40xi32, #tpu.memory_space<vmem>>
          %dma_start3A_146 = arith.constant 0 : i32
          %dma_start3A_147 = arith.constant 0 : i32
          %dma_start3A_148 = tpu.memref_slice %arg2[%dma_start3A_146, %dma_start3A_147] : memref<10240x128xf32, #tpu.memory_space<hbm>> -> memref<10240x128xf32, #tpu.memory_space<hbm>>
          tpu.enqueue_indirect_dma source(%dma_start3A_148 : memref<10240x128xf32, #tpu.memory_space<hbm>>) target(%arg10 : memref<40x128xf32, #tpu.memory_space<vmem>>) offsets(%dma_start3A_145 : memref<40xi32, #tpu.memory_space<vmem>>) semaphore(%arg15 : memref<!tpu.dma_semaphore, #tpu.memory_space<semaphore_mem>>)
        } else {
        }
        "tpu.region"() ({
          %run_scoped3A = tpu.sem_alloc : memref<!tpu.dma_semaphore, #tpu.memory_space<semaphore_mem>>
          %dma_start3A_143 = arith.constant 0 : i32
          %dma_start3A_144 = tpu.memref_slice %arg8[%add3A_93, %dma_start3A_143] : memref<50x40xi32, #tpu.memory_space<vmem>> -> memref<1x40xi32, #tpu.memory_space<vmem>>
          %dma_start3A_145 = tpu.memref_squeeze %dma_start3A_144 : memref<1x40xi32, #tpu.memory_space<vmem>> -> memref<40xi32, #tpu.memory_space<vmem>>
          %dma_start3A_146 = arith.constant 0 : i32
          %dma_start3A_147 = arith.constant 0 : i32
          %dma_start3A_148 = tpu.memref_slice %arg19[%dma_start3A_146, %dma_start3A_147] : memref<10240x128xf32, #tpu.memory_space<vmem_shared>> -> memref<10240x128xf32, #tpu.memory_space<vmem_shared>>
          tpu.enqueue_indirect_dma source(%arg11 : memref<40x128xf32, #tpu.memory_space<vmem>>) target(%dma_start3A_148 : memref<10240x128xf32, #tpu.memory_space<vmem_shared>>) offsets(%dma_start3A_145 : memref<40xi32, #tpu.memory_space<vmem>>) semaphore(%run_scoped3A : memref<!tpu.dma_semaphore, #tpu.memory_space<semaphore_mem>>) {add = true}
          %dma_wait3A_149 = arith.constant 0 : i32
          %dma_wait3A_150 = tpu.memref_slice %arg8[%add3A_93, %dma_wait3A_149] : memref<50x40xi32, #tpu.memory_space<vmem>> -> memref<1x40xi32, #tpu.memory_space<vmem>>
          %dma_wait3A_151 = tpu.memref_squeeze %dma_wait3A_150 : memref<1x40xi32, #tpu.memory_space<vmem>> -> memref<40xi32, #tpu.memory_space<vmem>>
          %dma_wait3A_152 = arith.constant 0 : i32
          %dma_wait3A_153 = arith.constant 0 : i32
          %dma_wait3A_154 = tpu.memref_slice %arg19[%dma_wait3A_152, %dma_wait3A_153] : memref<10240x128xf32, #tpu.memory_space<vmem_shared>> -> memref<10240x128xf32, #tpu.memory_space<vmem_shared>>
          tpu.wait_indirect_dma semaphore(%run_scoped3A : memref<!tpu.dma_semaphore, #tpu.memory_space<semaphore_mem>>) src(%arg11 : memref<40x128xf32, #tpu.memory_space<vmem>>) dst(%dma_wait3A_154 : memref<10240x128xf32, #tpu.memory_space<vmem_shared>>)
          tpu.yield
        }) : () -> ()
        %add3A_109 = arith.constant 3 : i32
        %add3A_110 = arith.addi %mul3A_60, %add3A_109 : i32
        %dma_wait3A_111 = arith.constant 0 : i32
        %dma_wait3A_112 = tpu.memref_slice %arg7[%add3A_110, %dma_wait3A_111] : memref<50x40xi32, #tpu.memory_space<vmem>> -> memref<1x40xi32, #tpu.memory_space<vmem>>
        %dma_wait3A_113 = tpu.memref_squeeze %dma_wait3A_112 : memref<1x40xi32, #tpu.memory_space<vmem>> -> memref<40xi32, #tpu.memory_space<vmem>>
        %dma_wait3A_114 = arith.constant 0 : i32
        %dma_wait3A_115 = arith.constant 0 : i32
        %dma_wait3A_116 = tpu.memref_slice %arg2[%dma_wait3A_114, %dma_wait3A_115] : memref<10240x128xf32, #tpu.memory_space<hbm>> -> memref<10240x128xf32, #tpu.memory_space<hbm>>
        tpu.wait_indirect_dma semaphore(%arg17 : memref<!tpu.dma_semaphore, #tpu.memory_space<semaphore_mem>>) src(%dma_wait3A_116 : memref<10240x128xf32, #tpu.memory_space<hbm>>) dst(%arg12 : memref<40x128xf32, #tpu.memory_space<vmem>>)
        %add3A_117 = arith.constant 5 : i32
        %add3A_118 = arith.addi %add3A_110, %add3A_117 : i32
        %sub3A_119 = arith.constant 1 : i32
        %sub3A_120 = arith.subi %add3A_118, %sub3A_119 : i32
        %lt3A_121 = arith.constant 50 : i32
        %lt3A_122 = arith.cmpi slt, %sub3A_120, %lt3A_121 : i32
        %convert_element_type3A_123 = arith.extui %lt3A_122 : i1 to i32
        %cond3A_124 = arith.constant 0 : i32
        %cond3A_125 = arith.cmpi ne, %convert_element_type3A_123, %cond3A_124 : i32
        scf.if %cond3A_125 {
          %dma_start3A_143 = arith.constant 0 : i32
          %dma_start3A_144 = tpu.memref_slice %arg7[%sub3A_120, %dma_start3A_143] : memref<50x40xi32, #tpu.memory_space<vmem>> -> memref<1x40xi32, #tpu.memory_space<vmem>>
          %dma_start3A_145 = tpu.memref_squeeze %dma_start3A_144 : memref<1x40xi32, #tpu.memory_space<vmem>> -> memref<40xi32, #tpu.memory_space<vmem>>
          %dma_start3A_146 = arith.constant 0 : i32
          %dma_start3A_147 = arith.constant 0 : i32
          %dma_start3A_148 = tpu.memref_slice %arg2[%dma_start3A_146, %dma_start3A_147] : memref<10240x128xf32, #tpu.memory_space<hbm>> -> memref<10240x128xf32, #tpu.memory_space<hbm>>
          tpu.enqueue_indirect_dma source(%dma_start3A_148 : memref<10240x128xf32, #tpu.memory_space<hbm>>) target(%arg11 : memref<40x128xf32, #tpu.memory_space<vmem>>) offsets(%dma_start3A_145 : memref<40xi32, #tpu.memory_space<vmem>>) semaphore(%arg16 : memref<!tpu.dma_semaphore, #tpu.memory_space<semaphore_mem>>)
        } else {
        }
        "tpu.region"() ({
          %run_scoped3A = tpu.sem_alloc : memref<!tpu.dma_semaphore, #tpu.memory_space<semaphore_mem>>
          %dma_start3A_143 = arith.constant 0 : i32
          %dma_start3A_144 = tpu.memref_slice %arg8[%add3A_110, %dma_start3A_143] : memref<50x40xi32, #tpu.memory_space<vmem>> -> memref<1x40xi32, #tpu.memory_space<vmem>>
          %dma_start3A_145 = tpu.memref_squeeze %dma_start3A_144 : memref<1x40xi32, #tpu.memory_space<vmem>> -> memref<40xi32, #tpu.memory_space<vmem>>
          %dma_start3A_146 = arith.constant 0 : i32
          %dma_start3A_147 = arith.constant 0 : i32
          %dma_start3A_148 = tpu.memref_slice %arg19[%dma_start3A_146, %dma_start3A_147] : memref<10240x128xf32, #tpu.memory_space<vmem_shared>> -> memref<10240x128xf32, #tpu.memory_space<vmem_shared>>
          tpu.enqueue_indirect_dma source(%arg12 : memref<40x128xf32, #tpu.memory_space<vmem>>) target(%dma_start3A_148 : memref<10240x128xf32, #tpu.memory_space<vmem_shared>>) offsets(%dma_start3A_145 : memref<40xi32, #tpu.memory_space<vmem>>) semaphore(%run_scoped3A : memref<!tpu.dma_semaphore, #tpu.memory_space<semaphore_mem>>) {add = true}
          %dma_wait3A_149 = arith.constant 0 : i32
          %dma_wait3A_150 = tpu.memref_slice %arg8[%add3A_110, %dma_wait3A_149] : memref<50x40xi32, #tpu.memory_space<vmem>> -> memref<1x40xi32, #tpu.memory_space<vmem>>
          %dma_wait3A_151 = tpu.memref_squeeze %dma_wait3A_150 : memref<1x40xi32, #tpu.memory_space<vmem>> -> memref<40xi32, #tpu.memory_space<vmem>>
          %dma_wait3A_152 = arith.constant 0 : i32
          %dma_wait3A_153 = arith.constant 0 : i32
          %dma_wait3A_154 = tpu.memref_slice %arg19[%dma_wait3A_152, %dma_wait3A_153] : memref<10240x128xf32, #tpu.memory_space<vmem_shared>> -> memref<10240x128xf32, #tpu.memory_space<vmem_shared>>
          tpu.wait_indirect_dma semaphore(%run_scoped3A : memref<!tpu.dma_semaphore, #tpu.memory_space<semaphore_mem>>) src(%arg12 : memref<40x128xf32, #tpu.memory_space<vmem>>) dst(%dma_wait3A_154 : memref<10240x128xf32, #tpu.memory_space<vmem_shared>>)
          tpu.yield
        }) : () -> ()
        %add3A_126 = arith.constant 4 : i32
        %add3A_127 = arith.addi %mul3A_60, %add3A_126 : i32
        %dma_wait3A_128 = arith.constant 0 : i32
        %dma_wait3A_129 = tpu.memref_slice %arg7[%add3A_127, %dma_wait3A_128] : memref<50x40xi32, #tpu.memory_space<vmem>> -> memref<1x40xi32, #tpu.memory_space<vmem>>
        %dma_wait3A_130 = tpu.memref_squeeze %dma_wait3A_129 : memref<1x40xi32, #tpu.memory_space<vmem>> -> memref<40xi32, #tpu.memory_space<vmem>>
        %dma_wait3A_131 = arith.constant 0 : i32
        %dma_wait3A_132 = arith.constant 0 : i32
        %dma_wait3A_133 = tpu.memref_slice %arg2[%dma_wait3A_131, %dma_wait3A_132] : memref<10240x128xf32, #tpu.memory_space<hbm>> -> memref<10240x128xf32, #tpu.memory_space<hbm>>
        tpu.wait_indirect_dma semaphore(%arg18 : memref<!tpu.dma_semaphore, #tpu.memory_space<semaphore_mem>>) src(%dma_wait3A_133 : memref<10240x128xf32, #tpu.memory_space<hbm>>) dst(%arg13 : memref<40x128xf32, #tpu.memory_space<vmem>>)
        %add3A_134 = arith.constant 5 : i32
        %add3A_135 = arith.addi %add3A_127, %add3A_134 : i32
        %sub3A_136 = arith.constant 1 : i32
        %sub3A_137 = arith.subi %add3A_135, %sub3A_136 : i32
        %lt3A_138 = arith.constant 50 : i32
        %lt3A_139 = arith.cmpi slt, %sub3A_137, %lt3A_138 : i32
        %convert_element_type3A_140 = arith.extui %lt3A_139 : i1 to i32
        %cond3A_141 = arith.constant 0 : i32
        %cond3A_142 = arith.cmpi ne, %convert_element_type3A_140, %cond3A_141 : i32
        scf.if %cond3A_142 {
          %dma_start3A_143 = arith.constant 0 : i32
          %dma_start3A_144 = tpu.memref_slice %arg7[%sub3A_137, %dma_start3A_143] : memref<50x40xi32, #tpu.memory_space<vmem>> -> memref<1x40xi32, #tpu.memory_space<vmem>>
          %dma_start3A_145 = tpu.memref_squeeze %dma_start3A_144 : memref<1x40xi32, #tpu.memory_space<vmem>> -> memref<40xi32, #tpu.memory_space<vmem>>
          %dma_start3A_146 = arith.constant 0 : i32
          %dma_start3A_147 = arith.constant 0 : i32
          %dma_start3A_148 = tpu.memref_slice %arg2[%dma_start3A_146, %dma_start3A_147] : memref<10240x128xf32, #tpu.memory_space<hbm>> -> memref<10240x128xf32, #tpu.memory_space<hbm>>
          tpu.enqueue_indirect_dma source(%dma_start3A_148 : memref<10240x128xf32, #tpu.memory_space<hbm>>) target(%arg12 : memref<40x128xf32, #tpu.memory_space<vmem>>) offsets(%dma_start3A_145 : memref<40xi32, #tpu.memory_space<vmem>>) semaphore(%arg17 : memref<!tpu.dma_semaphore, #tpu.memory_space<semaphore_mem>>)
        } else {
        }
        "tpu.region"() ({
          %run_scoped3A = tpu.sem_alloc : memref<!tpu.dma_semaphore, #tpu.memory_space<semaphore_mem>>
          %dma_start3A_143 = arith.constant 0 : i32
          %dma_start3A_144 = tpu.memref_slice %arg8[%add3A_127, %dma_start3A_143] : memref<50x40xi32, #tpu.memory_space<vmem>> -> memref<1x40xi32, #tpu.memory_space<vmem>>
          %dma_start3A_145 = tpu.memref_squeeze %dma_start3A_144 : memref<1x40xi32, #tpu.memory_space<vmem>> -> memref<40xi32, #tpu.memory_space<vmem>>
          %dma_start3A_146 = arith.constant 0 : i32
          %dma_start3A_147 = arith.constant 0 : i32
          %dma_start3A_148 = tpu.memref_slice %arg19[%dma_start3A_146, %dma_start3A_147] : memref<10240x128xf32, #tpu.memory_space<vmem_shared>> -> memref<10240x128xf32, #tpu.memory_space<vmem_shared>>
          tpu.enqueue_indirect_dma source(%arg13 : memref<40x128xf32, #tpu.memory_space<vmem>>) target(%dma_start3A_148 : memref<10240x128xf32, #tpu.memory_space<vmem_shared>>) offsets(%dma_start3A_145 : memref<40xi32, #tpu.memory_space<vmem>>) semaphore(%run_scoped3A : memref<!tpu.dma_semaphore, #tpu.memory_space<semaphore_mem>>) {add = true}
          %dma_wait3A_149 = arith.constant 0 : i32
          %dma_wait3A_150 = tpu.memref_slice %arg8[%add3A_127, %dma_wait3A_149] : memref<50x40xi32, #tpu.memory_space<vmem>> -> memref<1x40xi32, #tpu.memory_space<vmem>>
          %dma_wait3A_151 = tpu.memref_squeeze %dma_wait3A_150 : memref<1x40xi32, #tpu.memory_space<vmem>> -> memref<40xi32, #tpu.memory_space<vmem>>
          %dma_wait3A_152 = arith.constant 0 : i32
          %dma_wait3A_153 = arith.constant 0 : i32
          %dma_wait3A_154 = tpu.memref_slice %arg19[%dma_wait3A_152, %dma_wait3A_153] : memref<10240x128xf32, #tpu.memory_space<vmem_shared>> -> memref<10240x128xf32, #tpu.memory_space<vmem_shared>>
          tpu.wait_indirect_dma semaphore(%run_scoped3A : memref<!tpu.dma_semaphore, #tpu.memory_space<semaphore_mem>>) src(%arg13 : memref<40x128xf32, #tpu.memory_space<vmem>>) dst(%dma_wait3A_154 : memref<10240x128xf32, #tpu.memory_space<vmem_shared>>)
          tpu.yield
        }) : () -> ()
      }
      %scan3A_53 = arith.constant 10 : i32
    }
    %scan3A_11 = arith.constant 5 : i32
    %barrier3A_12 = arith.constant 0 : index
    tpu.barrier barrier_id(%barrier3A_12)
    %mul3A_13 = arith.constant 640 : i32
    %mul3A_14 = arith.muli %arg1, %mul3A_13 : i32
    %mul3A_15 = arith.constant 640 : i32
    %mul3A_16 = arith.muli %arg1, %mul3A_15 : i32
    "tpu.region"() ({
      %run_scoped3A = tpu.sem_alloc : memref<!tpu.dma_semaphore, #tpu.memory_space<semaphore_mem>>
      %dma_start3A = arith.constant 0 : i32
      %dma_start3A_17 = tpu.memref_slice %arg6[%arg0, %mul3A_16, %dma_start3A] : memref<2x10240x128xf32, #tpu.memory_space<hbm>> -> memref<1x640x128xf32, #tpu.memory_space<hbm>>
      %dma_start3A_18 = tpu.memref_squeeze %dma_start3A_17 : memref<1x640x128xf32, #tpu.memory_space<hbm>> -> memref<640x128xf32, #tpu.memory_space<hbm>>
      %dma_start3A_19 = arith.constant 0 : i32
      %dma_start3A_20 = tpu.memref_slice %arg19[%mul3A_14, %dma_start3A_19] : memref<10240x128xf32, #tpu.memory_space<vmem_shared>> -> memref<640x128xf32, #tpu.memory_space<vmem_shared>>
      tpu.enqueue_dma source(%dma_start3A_20 : memref<640x128xf32, #tpu.memory_space<vmem_shared>>) target(%dma_start3A_18 : memref<640x128xf32, #tpu.memory_space<hbm>>) target_semaphore(%run_scoped3A : memref<!tpu.dma_semaphore, #tpu.memory_space<semaphore_mem>>)
      %dma_wait3A = arith.constant 0 : i32
      %dma_wait3A_21 = tpu.memref_slice %arg6[%arg0, %mul3A_16, %dma_wait3A] : memref<2x10240x128xf32, #tpu.memory_space<hbm>> -> memref<1x640x128xf32, #tpu.memory_space<hbm>>
      %dma_wait3A_22 = tpu.memref_squeeze %dma_wait3A_21 : memref<1x640x128xf32, #tpu.memory_space<hbm>> -> memref<640x128xf32, #tpu.memory_space<hbm>>
      %dma_wait3A_23 = arith.constant 0 : i32
      %dma_wait3A_24 = tpu.memref_slice %arg19[%mul3A_14, %dma_wait3A_23] : memref<10240x128xf32, #tpu.memory_space<vmem_shared>> -> memref<640x128xf32, #tpu.memory_space<vmem_shared>>
      tpu.wait_dma2 semaphore(%run_scoped3A : memref<!tpu.dma_semaphore, #tpu.memory_space<semaphore_mem>>) src(%dma_wait3A_24 : memref<640x128xf32, #tpu.memory_space<vmem_shared>>) dst(%dma_wait3A_22 : memref<640x128xf32, #tpu.memory_space<hbm>>)
      tpu.yield
    }) : () -> ()
    return
  }
}

module attributes {stable_mosaic.version = 14 : i64} {
  func.func @_tc1_body(%arg0: i32, %arg1: memref<1024x128xf32, #tpu.memory_space<vmem>>, %arg2: memref<128x128xf32, #tpu.memory_space<vmem>>, %arg3: memref<32x1024xf32, #tpu.memory_space<vmem>>, %arg4: memref<1024x128xf32, #tpu.memory_space<vmem>>, %arg5: memref<1024x1xf32, #tpu.memory_space<vmem>>) attributes {dimension_semantics = [#tpu.dimension_semantics<arbitrary>], iteration_bounds = array<i64: 10>, scalar_prefetch = 0 : i64, scratch_operands = 0 : i64, tpu.core_type = #tpu.core_type<tc>, window_params = [{transform_indices = @transform_0, window_bounds = array<i64: 1024, 128>}, {pipeline_mode = #tpu.pipeline_mode<synchronous>, transform_indices = @transform_1, window_bounds = array<i64: 128, 128>}, {transform_indices = @transform_2, window_bounds = array<i64: 32, 1024>}, {transform_indices = @transform_3, window_bounds = array<i64: 1024, 128>}, {transform_indices = @transform_4, window_bounds = array<i64: 1024, 1>}]} {
    %get3A = arith.constant 0 : index
    %get3A_0 = arith.constant 0 : index
    %get3A_1 = vector.load %arg1[%get3A, %get3A_0] : memref<1024x128xf32, #tpu.memory_space<vmem>>, vector<1024x128xf32>
    %get3A_2 = arith.constant 0 : index
    %get3A_3 = arith.constant 0 : index
    %get3A_4 = vector.load %arg2[%get3A_2, %get3A_3] : memref<128x128xf32, #tpu.memory_space<vmem>>, vector<128x128xf32>
    %dot_general3A = arith.constant dense<0.000000e+00> : vector<1024x128xf32>
    %dot_general3A_5 = tpu.matmul %get3A_1, %get3A_4, %dot_general3A {dimension_numbers = #tpu.dot_dimension_numbers<[1], [0], [0], [1], [0, 0, 1, 1], [], []>, transpose_lhs_hint = false} : vector<1024x128xf32>, vector<128x128xf32>, vector<1024x128xf32> -> vector<1024x128xf32>
    %get3A_6 = arith.constant 0 : index
    %get3A_7 = arith.constant 0 : index
    %get3A_8 = vector.load %arg3[%get3A_6, %get3A_7] : memref<32x1024xf32, #tpu.memory_space<vmem>>, vector<32x1024xf32>
    %reduce_sum3A = arith.constant dense<0.000000e+00> : vector<1024xf32>
    %reduce_sum3A_9 = vector.multi_reduction <add>, %get3A_8, %reduce_sum3A [0] : vector<32x1024xf32> to vector<1024xf32>
    %broadcast_in_dim3A = vector.shape_cast %reduce_sum3A_9 : vector<1024xf32> to vector<1x1024xf32>
    %add3A = arith.constant 1.000000e+00 : f32
    %add3A_10 = vector.broadcast %add3A : f32 to vector<1x1024xf32>
    %add3A_11 = arith.addf %broadcast_in_dim3A, %add3A_10 : vector<1x1024xf32>
    %max3A = arith.constant 9.99999996E-13 : f32
    %max3A_12 = vector.broadcast %max3A : f32 to vector<1x1024xf32>
    %max3A_13 = arith.maximumf %add3A_11, %max3A_12 : vector<1x1024xf32>
    %rsqrt3A = math.rsqrt %max3A_13 : vector<1x1024xf32>
    %transpose3A = tpu.transpose %rsqrt3A, [1, 0] : vector<1x1024xf32> -> vector<1024x1xf32>
    %swap3A = arith.constant 0 : index
    %swap3A_14 = arith.constant 0 : index
    %swap3A_15 = vector.load %arg5[%swap3A, %swap3A_14] : memref<1024x1xf32, #tpu.memory_space<vmem>>, vector<1024x1xf32>
    tpu.vector_store %arg5[%swap3A, %swap3A_14], %transpose3A {strides = array<i32>} : memref<1024x1xf32, #tpu.memory_space<vmem>>, vector<1024x1xf32>,
    %mul3A = vector.broadcast %transpose3A : vector<1024x1xf32> to vector<1024x128xf32>
    %mul3A_16 = arith.mulf %dot_general3A_5, %mul3A : vector<1024x128xf32>
    %swap3A_17 = arith.constant 0 : index
    %swap3A_18 = arith.constant 0 : index
    %swap3A_19 = vector.load %arg4[%swap3A_17, %swap3A_18] : memref<1024x128xf32, #tpu.memory_space<vmem>>, vector<1024x128xf32>
    tpu.vector_store %arg4[%swap3A_17, %swap3A_18], %mul3A_16 {strides = array<i32>} : memref<1024x128xf32, #tpu.memory_space<vmem>>, vector<1024x128xf32>,
    return
  }
  func.func @transform_0(%arg0: i32) -> (i32, i32) {
    %c0_i32 = arith.constant 0 : i32
    %c0_i32_0 = arith.constant 0 : i32
    return %arg0, %c0_i32 : i32, i32
  }
  func.func @transform_1(%arg0: i32) -> (i32, i32) {
    %c0_i32 = arith.constant 0 : i32
    %c0_i32_0 = arith.constant 0 : i32
    %c0_i32_1 = arith.constant 0 : i32
    return %c0_i32, %c0_i32_0 : i32, i32
  }
  func.func @transform_2(%arg0: i32) -> (i32, i32) {
    %c0_i32 = arith.constant 0 : i32
    %c0_i32_0 = arith.constant 0 : i32
    return %c0_i32, %arg0 : i32, i32
  }
  func.func @transform_3(%arg0: i32) -> (i32, i32) {
    %c0_i32 = arith.constant 0 : i32
    %c0_i32_0 = arith.constant 0 : i32
    return %arg0, %c0_i32 : i32, i32
  }
  func.func @transform_4(%arg0: i32) -> (i32, i32) {
    %c0_i32 = arith.constant 0 : i32
    %c0_i32_0 = arith.constant 0 : i32
    return %arg0, %c0_i32 : i32, i32
  }
}

module attributes {stable_mosaic.version = 14 : i64} {
  func.func @_mid_body(%arg0: i32, %arg1: memref<1024x128xf32, #tpu.memory_space<vmem>>, %arg2: memref<1024x128xf32, #tpu.memory_space<vmem>>, %arg3: memref<1024x1xf32, #tpu.memory_space<vmem>>, %arg4: memref<1x128xf32, #tpu.memory_space<vmem>>, %arg5: memref<128x128xf32, #tpu.memory_space<vmem>>, %arg6: memref<1024x128xf32, #tpu.memory_space<vmem>>) attributes {dimension_semantics = [#tpu.dimension_semantics<arbitrary>], iteration_bounds = array<i64: 10>, scalar_prefetch = 0 : i64, scratch_operands = 0 : i64, tpu.core_type = #tpu.core_type<tc>, window_params = [{transform_indices = @transform_0, window_bounds = array<i64: 1024, 128>}, {transform_indices = @transform_1, window_bounds = array<i64: 1024, 128>}, {transform_indices = @transform_2, window_bounds = array<i64: 1024, 1>}, {pipeline_mode = #tpu.pipeline_mode<synchronous>, transform_indices = @transform_3, window_bounds = array<i64: 1, 128>}, {pipeline_mode = #tpu.pipeline_mode<synchronous>, transform_indices = @transform_4, window_bounds = array<i64: 128, 128>}, {transform_indices = @transform_5, window_bounds = array<i64: 1024, 128>}]} {
    %get3A = arith.constant 0 : index
    %get3A_0 = arith.constant 0 : index
    %get3A_1 = vector.load %arg3[%get3A, %get3A_0] : memref<1024x1xf32, #tpu.memory_space<vmem>>, vector<1024x1xf32>
    %get3A_2 = arith.constant 0 : index
    %get3A_3 = arith.constant 0 : index
    %get3A_4 = vector.load %arg1[%get3A_2, %get3A_3] : memref<1024x128xf32, #tpu.memory_space<vmem>>, vector<1024x128xf32>
    %get3A_5 = arith.constant 0 : index
    %get3A_6 = arith.constant 0 : index
    %get3A_7 = vector.load %arg2[%get3A_5, %get3A_6] : memref<1024x128xf32, #tpu.memory_space<vmem>>, vector<1024x128xf32>
    %add3A = arith.addf %get3A_4, %get3A_7 : vector<1024x128xf32>
    %mul3A = vector.broadcast %get3A_1 : vector<1024x1xf32> to vector<1024x128xf32>
    %mul3A_8 = arith.mulf %mul3A, %add3A : vector<1024x128xf32>
    %get3A_9 = arith.constant 0 : index
    %get3A_10 = arith.constant 0 : index
    %get3A_11 = vector.load %arg4[%get3A_9, %get3A_10] : memref<1x128xf32, #tpu.memory_space<vmem>>, vector<1x128xf32>
    %add3A_12 = vector.broadcast %get3A_11 : vector<1x128xf32> to vector<1024x128xf32>
    %add3A_13 = arith.addf %mul3A_8, %add3A_12 : vector<1024x128xf32>
    %max3A = arith.constant 0.000000e+00 : f32
    %max3A_14 = vector.broadcast %max3A : f32 to vector<1024x128xf32>
    %max3A_15 = arith.maximumf %add3A_13, %max3A_14 : vector<1024x128xf32>
    %get3A_16 = arith.constant 0 : index
    %get3A_17 = arith.constant 0 : index
    %get3A_18 = vector.load %arg3[%get3A_16, %get3A_17] : memref<1024x1xf32, #tpu.memory_space<vmem>>, vector<1024x1xf32>
    %get3A_19 = arith.constant 0 : index
    %get3A_20 = arith.constant 0 : index
    %get3A_21 = vector.load %arg5[%get3A_19, %get3A_20] : memref<128x128xf32, #tpu.memory_space<vmem>>, vector<128x128xf32>
    %dot_general3A = arith.constant dense<0.000000e+00> : vector<1024x128xf32>
    %dot_general3A_22 = tpu.matmul %max3A_15, %get3A_21, %dot_general3A {dimension_numbers = #tpu.dot_dimension_numbers<[1], [0], [0], [1], [0, 0, 1, 1], [], []>, transpose_lhs_hint = false} : vector<1024x128xf32>, vector<128x128xf32>, vector<1024x128xf32> -> vector<1024x128xf32>
    %mul3A_23 = vector.broadcast %get3A_18 : vector<1024x1xf32> to vector<1024x128xf32>
    %mul3A_24 = arith.mulf %mul3A_23, %dot_general3A_22 : vector<1024x128xf32>
    %swap3A = arith.constant 0 : index
    %swap3A_25 = arith.constant 0 : index
    %swap3A_26 = vector.load %arg6[%swap3A, %swap3A_25] : memref<1024x128xf32, #tpu.memory_space<vmem>>, vector<1024x128xf32>
    tpu.vector_store %arg6[%swap3A, %swap3A_25], %mul3A_24 {strides = array<i32>} : memref<1024x128xf32, #tpu.memory_space<vmem>>, vector<1024x128xf32>,
    return
  }
  func.func @transform_0(%arg0: i32) -> (i32, i32) {
    %c0_i32 = arith.constant 0 : i32
    %c0_i32_0 = arith.constant 0 : i32
    return %arg0, %c0_i32 : i32, i32
  }
  func.func @transform_1(%arg0: i32) -> (i32, i32) {
    %c0_i32 = arith.constant 0 : i32
    %c0_i32_0 = arith.constant 0 : i32
    return %arg0, %c0_i32 : i32, i32
  }
  func.func @transform_2(%arg0: i32) -> (i32, i32) {
    %c0_i32 = arith.constant 0 : i32
    %c0_i32_0 = arith.constant 0 : i32
    return %arg0, %c0_i32 : i32, i32
  }
  func.func @transform_3(%arg0: i32) -> (i32, i32) {
    %c0_i32 = arith.constant 0 : i32
    %c0_i32_0 = arith.constant 0 : i32
    %c0_i32_1 = arith.constant 0 : i32
    return %c0_i32, %c0_i32_0 : i32, i32
  }
  func.func @transform_4(%arg0: i32) -> (i32, i32) {
    %c0_i32 = arith.constant 0 : i32
    %c0_i32_0 = arith.constant 0 : i32
    %c0_i32_1 = arith.constant 0 : i32
    return %c0_i32, %c0_i32_0 : i32, i32
  }
  func.func @transform_5(%arg0: i32) -> (i32, i32) {
    %c0_i32 = arith.constant 0 : i32
    %c0_i32_0 = arith.constant 0 : i32
    return %arg0, %c0_i32 : i32, i32
  }
}

module attributes {stable_mosaic.version = 14 : i64} {
  func.func @_fin_body(%arg0: i32, %arg1: memref<1024x128xf32, #tpu.memory_space<vmem>>, %arg2: memref<1024x128xf32, #tpu.memory_space<vmem>>, %arg3: memref<1024x1xf32, #tpu.memory_space<vmem>>, %arg4: memref<1x128xf32, #tpu.memory_space<vmem>>, %arg5: memref<128x2xf32, #tpu.memory_space<vmem>>, %arg6: memref<1x1xf32, #tpu.memory_space<vmem>>, %arg7: memref<1024x1xf32, #tpu.memory_space<vmem>>, %arg8: memref<1024x1xf32, #tpu.memory_space<vmem>>) attributes {dimension_semantics = [#tpu.dimension_semantics<arbitrary>], iteration_bounds = array<i64: 10>, scalar_prefetch = 0 : i64, scratch_operands = 0 : i64, tpu.core_type = #tpu.core_type<tc>, window_params = [{transform_indices = @transform_0, window_bounds = array<i64: 1024, 128>}, {transform_indices = @transform_1, window_bounds = array<i64: 1024, 128>}, {transform_indices = @transform_2, window_bounds = array<i64: 1024, 1>}, {pipeline_mode = #tpu.pipeline_mode<synchronous>, transform_indices = @transform_3, window_bounds = array<i64: 1, 128>}, {pipeline_mode = #tpu.pipeline_mode<synchronous>, transform_indices = @transform_4, window_bounds = array<i64: 128, 2>}, {pipeline_mode = #tpu.pipeline_mode<synchronous>, transform_indices = @transform_5, window_bounds = array<i64: 1, 1>}, {transform_indices = @transform_6, window_bounds = array<i64: 1024, 1>}, {transform_indices = @transform_7, window_bounds = array<i64: 1024, 1>}]} {
    %get3A = arith.constant 0 : index
    %get3A_0 = arith.constant 0 : index
    %get3A_1 = vector.load %arg3[%get3A, %get3A_0] : memref<1024x1xf32, #tpu.memory_space<vmem>>, vector<1024x1xf32>
    %get3A_2 = arith.constant 0 : index
    %get3A_3 = arith.constant 0 : index
    %get3A_4 = vector.load %arg1[%get3A_2, %get3A_3] : memref<1024x128xf32, #tpu.memory_space<vmem>>, vector<1024x128xf32>
    %get3A_5 = arith.constant 0 : index
    %get3A_6 = arith.constant 0 : index
    %get3A_7 = vector.load %arg2[%get3A_5, %get3A_6] : memref<1024x128xf32, #tpu.memory_space<vmem>>, vector<1024x128xf32>
    %add3A = arith.addf %get3A_4, %get3A_7 : vector<1024x128xf32>
    %mul3A = vector.broadcast %get3A_1 : vector<1024x1xf32> to vector<1024x128xf32>
    %mul3A_8 = arith.mulf %mul3A, %add3A : vector<1024x128xf32>
    %get3A_9 = arith.constant 0 : index
    %get3A_10 = arith.constant 0 : index
    %get3A_11 = vector.load %arg4[%get3A_9, %get3A_10] : memref<1x128xf32, #tpu.memory_space<vmem>>, vector<1x128xf32>
    %add3A_12 = vector.broadcast %get3A_11 : vector<1x128xf32> to vector<1024x128xf32>
    %add3A_13 = arith.addf %mul3A_8, %add3A_12 : vector<1024x128xf32>
    %max3A = arith.constant 0.000000e+00 : f32
    %max3A_14 = vector.broadcast %max3A : f32 to vector<1024x128xf32>
    %max3A_15 = arith.maximumf %add3A_13, %max3A_14 : vector<1024x128xf32>
    %get3A_16 = arith.constant 0 : index
    %get3A_17 = arith.constant 0 : index
    %get3A_18 = vector.load %arg5[%get3A_16, %get3A_17] : memref<128x2xf32, #tpu.memory_space<vmem>>, vector<128x2xf32>
    %dot_general3A = arith.constant dense<0.000000e+00> : vector<1024x2xf32>
    %dot_general3A_19 = tpu.matmul %max3A_15, %get3A_18, %dot_general3A {dimension_numbers = #tpu.dot_dimension_numbers<[1], [0], [0], [1], [0, 0, 1, 1], [], []>, transpose_lhs_hint = false} : vector<1024x128xf32>, vector<128x2xf32>, vector<1024x2xf32> -> vector<1024x2xf32>
    %slice3A = vector.extract_strided_slice %dot_general3A_19 {offsets = [0, 0], sizes = [1024, 1], strides = [1, 1]} : vector<1024x2xf32> to vector<1024x1xf32>
    %get3A_20 = arith.constant 0 : index
    %get3A_21 = arith.constant 0 : index
    %get3A_22 = vector.load %arg6[%get3A_20, %get3A_21] : memref<1x1xf32, #tpu.memory_space<vmem>>, vector<1x1xf32>
    %get3A_23 = vector.extract %get3A_22[0, 0] : f32 from vector<1x1xf32>
    %add3A_24 = vector.broadcast %get3A_23 : f32 to vector<1024x1xf32>
    %add3A_25 = arith.addf %slice3A, %add3A_24 : vector<1024x1xf32>
    %swap3A = arith.constant 0 : index
    %swap3A_26 = arith.constant 0 : index
    %swap3A_27 = vector.load %arg7[%swap3A, %swap3A_26] : memref<1024x1xf32, #tpu.memory_space<vmem>>, vector<1024x1xf32>
    tpu.vector_store %arg7[%swap3A, %swap3A_26], %add3A_25 {strides = array<i32>} : memref<1024x1xf32, #tpu.memory_space<vmem>>, vector<1024x1xf32>,
    %slice3A_28 = vector.extract_strided_slice %dot_general3A_19 {offsets = [0, 1], sizes = [1024, 1], strides = [1, 1]} : vector<1024x2xf32> to vector<1024x1xf32>
    %swap3A_29 = arith.constant 0 : index
    %swap3A_30 = arith.constant 0 : index
    %swap3A_31 = vector.load %arg8[%swap3A_29, %swap3A_30] : memref<1024x1xf32, #tpu.memory_space<vmem>>, vector<1024x1xf32>
    tpu.vector_store %arg8[%swap3A_29, %swap3A_30], %slice3A_28 {strides = array<i32>} : memref<1024x1xf32, #tpu.memory_space<vmem>>, vector<1024x1xf32>,
    return
  }
  func.func @transform_0(%arg0: i32) -> (i32, i32) {
    %c0_i32 = arith.constant 0 : i32
    %c0_i32_0 = arith.constant 0 : i32
    return %arg0, %c0_i32 : i32, i32
  }
  func.func @transform_1(%arg0: i32) -> (i32, i32) {
    %c0_i32 = arith.constant 0 : i32
    %c0_i32_0 = arith.constant 0 : i32
    return %arg0, %c0_i32 : i32, i32
  }
  func.func @transform_2(%arg0: i32) -> (i32, i32) {
    %c0_i32 = arith.constant 0 : i32
    %c0_i32_0 = arith.constant 0 : i32
    return %arg0, %c0_i32 : i32, i32
  }
  func.func @transform_3(%arg0: i32) -> (i32, i32) {
    %c0_i32 = arith.constant 0 : i32
    %c0_i32_0 = arith.constant 0 : i32
    %c0_i32_1 = arith.constant 0 : i32
    return %c0_i32, %c0_i32_0 : i32, i32
  }
  func.func @transform_4(%arg0: i32) -> (i32, i32) {
    %c0_i32 = arith.constant 0 : i32
    %c0_i32_0 = arith.constant 0 : i32
    %c0_i32_1 = arith.constant 0 : i32
    return %c0_i32, %c0_i32_0 : i32, i32
  }
  func.func @transform_5(%arg0: i32) -> (i32, i32) {
    %c0_i32 = arith.constant 0 : i32
    %c0_i32_0 = arith.constant 0 : i32
    %c0_i32_1 = arith.constant 0 : i32
    return %c0_i32, %c0_i32_0 : i32, i32
  }
  func.func @transform_6(%arg0: i32) -> (i32, i32) {
    %c0_i32 = arith.constant 0 : i32
    %c0_i32_0 = arith.constant 0 : i32
    return %arg0, %c0_i32 : i32, i32
  }
  func.func @transform_7(%arg0: i32) -> (i32, i32) {
    %c0_i32 = arith.constant 0 : i32
    %c0_i32_0 = arith.constant 0 : i32
    return %arg0, %c0_i32 : i32, i32
  }
}

</mosaic_0001>

<sc_bundles>
// kernel: kernel.12.cloned.1.call-start
scs
__scs_entry_jumppad:
0x0: {  	(pc) =	sbr.rel $0x88, $3  }
0x1: {  	(tag) =	ssettag $0x0;
	lr =	simm.s32 $0x1  }
0x2: {  	[smem:$0x3F99] =	sst lr;
	_ =	strace $0xD0000000  }
0x3: {  	_ = 	snop  }
0x4: {  	_ = 	snop  }
0x5: {  	_ = 	snop  }
0x6: {  	_ = 	snop  }
0x7: {  	_ = 	snop  }
__scs_overlays_trampoline_lowered:
0x8: {  	[smem:$0x3FA8] =	sst s0  }
0x9: {  	[smem:$0x3FA9] =	sst s1  }
0xa: {  	[smem:$0x3FAA] =	sst s2  }
0xb: {  	[smem:$0x3FAB] =	sst s3  }
0xc: {  	[smem:$0x3FAC] =	sst s4  }
0xd: {  	[smem:$0x3FAD] =	sst s5  }
0xe: {  	[smem:$0x3FAE] =	sst s6  }
0xf: {  	[smem:$0x3FAF] =	sst s7  }
0x10: {  	[smem:$0x3FB0] =	sst s8  }
0x11: {  	[smem:$0x3FB1] =	sst s9;
	s0 =	simm.s32 @!p0 $0x0  }
0x12: {  	s1 =	sld [smem:$0x3F97];
	s0 =	simm.s32 @p0 $0x1  }
0x13: {  	[smem:$0x3FB2] =	sst s0;
	s0 =	simm.s32 @!p1 $0x0  }
0x14: {  	s2 =	sld [smem:$0x3F96];
	s0 =	simm.s32 @p1 $0x1  }
0x15: {  	[smem:$0x3FB3] =	sst s0;
	s0 =	simm.s32 @!p2 $0x0  }
0x16: {  	s3 =	sld [smem:$0x3FDB];
	s0 =	simm.s32 @p2 $0x1  }
0x17: {  	s4 =	simm.s32 $0x1BF5;
	[smem:$0x3FB5] =	sst s0  }
0x18: {  	s0 =	sld [smem:$0x3F98];
	_ =	swait.ge [sflag:s4], $0x0  }
0x19: {  	s7 =	sld [smem:$0x3F99]  }
0x1a: {  	s8 =	sadd.s32 $0xFFFFE003, lr  }
0x1b: {  	s9 =	sadd.s32 $0xFFFFFEF7, lr;
	s5 =	simm.s32 $0xFFFFFFFF;
	p2 =	slt.u32 s8, $0xFFFFF086  }
0x1c: {  	p1 =	slt.u32 s9, $0xF7A;
	s5 =	simm.s32 @!p2 $0x0  }
0x1d: {  	s5 =	simm.s32 @p1 $0x1;
	p0 =	seq.s32 s7, s2  }
0x1e: {  	s7 =	smul.u32 @!p0 $0xF7A, s2;
	p2 =	seq.s32 @!p0 s5, $0x0  }
0x1f: {  	s9 =	smul.u32 $0xF7A, s1;
	s8 =	simm.s32 @!p0 $0x1BF5;
	p2 =	por !p2, p0  }
0x20: {  	[sflag:s8] =	ssyncset.s32 @!p0 $0xFFFFF086;
	s6 =	sadd.s32 @!p0 s3, s7;
	s7 =	simm.s32 @!p0 $0x108  }
0x21: {  	s3 =	sadd.s32 s3, s9;
	s6 =	sadd.s32 @!p0 $0x88, s6;
	s7 =	simm.s32 @p2 $0x1082  }
0x22: {  	[simem:s7], [sflag:s8] =	dma.local @!p0 [hbm:s6], $0xF7A  }
0x23: {  	s9 =	sor.u32 $0xD0000000, s2;
	s6 =	simm.s32 $0x108;
	_ =	swait.ge @!p0 [sflag:s8], $0x0  }
0x24: {  	s3 =	sadd.s32 $0x88, s3;
	s6 =	simm.s32 @!p1 $0x1082;
	[sflag:s4] =	ssyncset.s32 $0xFFFFF086  }
0x25: {  	[simem:s6], [sflag:s4] =	dma.local [hbm:s3], $0xF7A  }
0x26: {  	[smem:$0x3F99] =	sst s1;
	(tag) =	ssettag s2;
	_ =	strace s9  }
0x27: {  	s1 =	sld [smem:$0x3FA9]  }
0x28: {  	s2 =	sld [smem:$0x3FAA]  }
0x29: {  	s4 =	sld [smem:$0x3FAC]  }
0x2a: {  	p0 =	seq.s32 s5, $0x0;
	s5 =	sld [smem:$0x3FAD]  }
0x2b: {  	s6 =	sld [smem:$0x3FAE]  }
0x2c: {  	s7 =	sld [smem:$0x3FAF]  }
0x2d: {  	s3 =	simm.s32 $0x108;
	s8 =	sld [smem:$0x3FB0]  }
0x2e: {  	s3 =	simm.s32 @!p0 $0x1082;
	s9 =	sld [smem:$0x3FB1]  }
0x2f: {  	lr =	sadd.s32 s0, s3;
	s0 =	sld [smem:$0x3FA8]  }
0x30: {  	s3 =	sld [smem:$0x3FAB]  }
0x31: {  	[smem:$0x3FB4] =	sst s10  }
0x32: {  	s10 =	sld [smem:$0x3FB2];
	_ =	sdelay $0x3  }
0x33: {  	p0 =	seq.s32 s10, $0x1;
	s10 =	sld [smem:$0x3FB4];
	_ =	sdelay $0x3  }
0x34: {  	[smem:$0x3FB4] =	sst s10  }
0x35: {  	s10 =	sld [smem:$0x3FB3];
	_ =	sdelay $0x3  }
0x36: {  	p1 =	seq.s32 s10, $0x1;
	s10 =	sld [smem:$0x3FB4];
	_ =	sdelay $0x3  }
0x37: {  	[smem:$0x3FB4] =	sst s10  }
0x38: {  	s10 =	sld [smem:$0x3FB5]  }
0x39: {  	_ = 	snop;
	(pc) =	sbr.ind lr, $3  }
0x3a: {  	_ = 	snop  }
0x3b: {  	_ = 	snop  }
0x3c: {  	p2 =	seq.s32 s10, $0x1;
	s10 =	sld [smem:$0x3FB4]  }
0x3d: {  	_ =	shalt  }
0x3e: {  	_ =	shalt  }
0x3f: {  	_ =	shalt  }
0x40: {  	_ =	shalt  }
0x41: {  	_ =	shalt  }
0x42: {  	_ =	shalt  }
0x43: {  	_ =	shalt  }
0x44: {  	_ =	shalt  }
0x45: {  	_ =	shalt  }
0x46: {  	_ =	shalt  }
0x47: {  	_ =	shalt  }
0x48: {  	_ =	shalt  }
0x49: {  	_ =	shalt  }
0x4a: {  	_ =	shalt  }
0x4b: {  	_ =	shalt  }
0x4c: {  	_ =	shalt  }
0x4d: {  	_ =	shalt  }
0x4e: {  	_ =	shalt  }
0x4f: {  	_ =	shalt  }
0x50: {  	_ =	shalt  }
0x51: {  	_ =	shalt  }
0x52: {  	_ =	shalt  }
0x53: {  	_ =	shalt  }
0x54: {  	_ =	shalt  }
0x55: {  	_ =	shalt  }
0x56: {  	_ =	shalt  }
0x57: {  	_ =	shalt  }
0x58: {  	_ =	shalt  }
0x59: {  	_ =	shalt  }
0x5a: {  	_ =	shalt  }
0x5b: {  	_ =	shalt  }
0x5c: {  	_ =	shalt  }
0x5d: {  	_ =	shalt  }
0x5e: {  	_ =	shalt  }
0x5f: {  	_ =	shalt  }
0x60: {  	_ =	shalt  }
0x61: {  	_ =	shalt  }
0x62: {  	_ =	shalt  }
0x63: {  	_ =	shalt  }
0x64: {  	_ =	shalt  }
0x65: {  	_ =	shalt  }
0x66: {  	_ =	shalt  }
0x67: {  	_ =	shalt  }
0x68: {  	_ =	shalt  }
0x69: {  	_ =	shalt  }
0x6a: {  	_ =	shalt  }
0x6b: {  	_ =	shalt  }
0x6c: {  	_ =	shalt  }
0x6d: {  	_ =	shalt  }
0x6e: {  	_ =	shalt  }
0x6f: {  	_ =	shalt  }
0x70: {  	_ =	shalt  }
0x71: {  	_ =	shalt  }
0x72: {  	_ =	shalt  }
0x73: {  	_ =	shalt  }
0x74: {  	_ =	shalt  }
0x75: {  	_ =	shalt  }
0x76: {  	_ =	shalt  }
0x77: {  	_ =	shalt  }
0x78: {  	_ =	shalt  }
0x79: {  	_ =	shalt  }
0x7a: {  	_ =	shalt  }
0x7b: {  	_ =	shalt  }
0x7c: {  	_ =	shalt  }
0x7d: {  	_ =	shalt  }
0x7e: {  	_ =	shalt  }
0x7f: {  	_ =	shalt  }
0x80: {  	_ =	shalt  }
0x81: {  	_ =	shalt  }
0x82: {  	_ =	shalt  }
0x83: {  	_ =	shalt  }
0x84: {  	_ =	shalt  }
0x85: {  	_ =	shalt  }
0x86: {  	_ =	shalt  }
0x87: {  	_ =	shalt  }
.Lfunc_end0:
.L_simem_size_0:
called_computation.1_lowered:
.L_overlay_start_0:
0x88: {  	s2 =	sld [smem:$0x3FD9]  }
0x89: {  	s3 =	sld [smem:$0x3FFE];
	_ =	sdelay $0x1  }
0x8a: {  	s1 =	srdreg.scid  }
0x8b: {  	s0 =	sand.u32 $0x1, s1  }
0x8c: {  	s16 =	sshll.u32 s0, $0xA;
	s2 =	sadd.s32 s3, s2  }
0x8d: {  	s2 =	sadd.s32 s2, s16  }
0x8e: {  	[smem:$0x3FC0] =	sst s2  }
0x8f: {  	_ = 	snop  }
0x90: {  	(tm) =	ssettm $0x1  }
0x91: {  	s17 =	sld [smem:$0x3FFB];
	_ =	sdelay $0x3  }
0x92: {  	_ =	strace s17  }
0x93: {  	s2 =	sld [smem:$0x3FFC];
	_ =	sdelay $0x3  }
0x94: {  	_ =	strace s2  }
0x95: {  	s2 =	sld [smem:$0x3FFD];
	_ =	sdelay $0x3  }
0x96: {  	_ =	strace s2  }
0x97: {  	_ =	strace $0x8FFFFFFF  }
0x98: {  	s18 =	sld [smem:$0x3FDB];
	_ =	sdelay $0x1  }
0x99: {  	s19 =	simm.s32 $_scs_section_size  }
0x9a: {  	s4 =	simm.s32 $_size__tile_overlayer_lowered;
	s5 =	simm.s32 $_tile_overlayer_lowered  }
0x9b: {  	s22 =	simm.s32 $0x1BFF;
	s21 =	sshll.u32 s5, $0x1;
	s2 =	sadd.s32 s19, s18  }
0x9c: {  	s6 =	simm.s32 $0x0;
	s20 =	sshll.u32 s4, $0x1;
	s4 =	sadd.s32 s21, s2  }
0x9d: {  	[timem:s6], [sflag:s22] =	dma.local [hbm:s4], s20  }
0x9e: {  	_ =	swait.ge [sflag:s22], s20  }
0x9f: {  	s3 =	ssub.s32 $0x0, s20;
	[sflag:s22] =	ssyncset.done $0x0  }
0xa0: {  	[sflag:s22] =	ssyncadd.s32 s3;
	_ =	sdelay $0x1  }
0xa1: {  	s23 =	simm.s32 $0x1B8B  }
0xa2: {  	_ =	swait.ge [sflag:s23], $0x1  }
0xa3: {  	[sflag:s23] =	ssyncset.done $0x0  }
0xa4: {  	s25 =	simm.s32 $0x1B8E;
	s24 =	sld [smem:$0x3FFE];
	[sflag:s23] =	ssyncadd.s32 $0xFFFFFFFF  }
0xa5: {  	s26 =	simm.s32 $execute0_lowered;
	[smem:$0x3FD2] =	sst s25  }
0xa6: {  	s4 =	sshll.u32 s26, $0x1;
	_ =	strace $0x80000049;
	[dreg:$0x1] =	wrdreg $0xFFFFFFFF  }
0xa7: {  	s28 =	simm.s32 $_size_execute0_lowered;
	s2 =	sadd.s32 s2, s4;
	[dreg:$0x0] =	wrdreg $0x0  }
0xa8: {  	s4 =	sshll.u32 s28, $0x1;
	[dreg:$0x2] =	wrdreg s2  }
0xa9: {  	[dreg:$0x3] =	wrdreg s4  }
0xaa: {  	[dreg:$0x4] =	wrdreg $0xC0  }
0xab: {  	_ =	task [dreg:s6], $0x5FFFF  }
0xac: {  	[dreg:$0x1] =	wrdreg $0xFFFFFFFF  }
0xad: {  	[dreg:$0x0] =	wrdreg $0x60  }
0xae: {  	[dreg:$0x2] =	wrdreg s24  }
0xaf: {  	[dreg:$0x3] =	wrdreg $0x9C000  }
0xb0: {  	[dreg:$0x4] =	wrdreg $0x9  }
0xb1: {  	_ =	task.clear_ibuf [dreg:s6], $0x5FFFF;
	_ =	strace $0x90000049  }
0xb2: {  	s29 =	simm.s32 $0x9;
	_ =	strace $0x8000004B  }
0xb3: {  	_ =	swait.ge [sflag:s29], $0x1  }
0xb4: {  	[sflag:s29] =	ssyncadd.s32 $0xFFFFFFFF  }
0xb5: {  	_ =	strace $0x9000004B  }
0xb6: {  	_ =	sfence  }
0xb7: {  	s30 =	sld [smem:$0x0];
	_ =	sdelay $0x2  }
0xb8: {  	s31 =	sshll.u32 s1, $0xD;
	s1 =	sshrl.u32 s1, $0x2  }
0xb9: {  	s3 =	sand.u32 $0x4000, s31;
	s1 =	sadd.s32 s1, s30  }
0xba: {  	s0 =	sor.u32 s3, s0;
	s1 =	sshll.u32 s1, $0x11  }
0xbb: {  	s0 =	sor.u32 s1, s0  }
0xbc: {  	s0 =	sadd.s32 $0x8F2B, s0  }
0xbd: {  	[sflag:s0] =	ssyncadd.remote.s32 $0x1  }
0xbe: {  	_ =	sfence.sel $0xFFFF  }
0xbf: {  	[dreg:$0x0] =	wrdreg $0xFFFFFFFF;
	(pc) =	sbr.abs _section_cstart, $3  }
0xc0: {  	[dreg:$0x1] =	wrdreg $0xFFFFFFFF  }
0xc1: {  	_ =	task.clear_ibuf [dreg:s6], $0x2FFFF;
	_ =	strace $0x9FFFFFFF  }
0xc2: {  	(tm) =	ssettm $0x7FFFFFFF  }
0xc3: {  	_ =	shalt  }
tec
execute0_lowered:
.L_overlay_start_1:
0x0: {  	(tag) =	ssettag $0x1  }
0x1: {  	s0 =	rddreg [dreg:$0x0]  }
0x2: {  	s1 =	rddreg [dreg:$0x1];
	s2 =	srdreg.scid  }
0x3: {  	s12 =	simm.s32 $0x0;
	s3 =	stileid.u32;
	s13 =	simm.s32 $0x6  }
0x4: {  	s14 =	simm.s32 $0x1C00;
	s15 =	simm.s32 $0x28;
	s16 =	simm.s32 $0x3800  }
0x5: {  	s17 =	simm.s32 $0x80;
	s18 =	simm.s32 $0x4C00;
	s28 =	simm.s32 $0x4  }
0x6: {  	s29 =	simm.s32 $0x5;
	s30 =	simm.s32 $0x1880;
	s31 =	simm.s32 $0x3280  }
0x7: {  	s2 =	sand.u32 $0x1, s2;
	[smem:$0x7FF] =	sst s12;
	s8 =	smul.u32 $0x14000, s3  }
0x8: {  	s4 =	sadd.s32 $0x66000, s0;
	s9 =	sadd.s32 $0xB6000, s0;
	s10 =	smul.u32 $0x50000, s3  }
0x9: {  	s5 =	sadd.s32 $0x43000, s0;
	s6 =	sadd.s32 $0x20000, s0;
	s23 =	smul.u32 $0x2800, s3  }
0xa: {  	s11 =	sshll.u32 s3, $0x1;
	s26 =	sshll.u32 s3, $0x6;
	s7 =	smul.u32 $0x140000, s2  }
0xb: {  	_ =	strace $0x8000004A;
	s19 =	ssub.s32 $0x2, s2;
	s21 =	sor.u32 s2, s11  }
0xc: {  	p0 =	seq.s32 s2, $0x1;
	s11 =	smov.u32 s4;
	s2 =	simm.s32 $0x3380  }
0xd: {  	s20 =	sshrl.u32 s19, $0x1;
	s10 =	sshrl.u32 s10, $0x2;
	s11 =	smov.u32 @p0 s9  }
0xe: {  	s9 =	simm.s32 $0x3480;
	s7 =	sadd.s32 s8, s7;
	s8 =	ssub.s32 s19, s20  }
0xf: {  	s22 =	sadd.s32 s10, s1;
	s25 =	sadd.s32 s11, s23;
	s10 =	sor.u32 $0x1C06, s26  }
0x10: {  	s19 =	simm.s32 $0x100;
	s20 =	simm.s32 $0x6000;
	s23 =	simm.s32 $0x1  }
0x11: {  	s26 =	simm.s32 $0x3;
	s7 =	sshrl.u32 s7, $0x3;
	s24 =	smax.u32 s8, $0x1  }
0x12: {  	[dreg:$0x6] =	wrdreg s25;
	s11 =	sshrl.u32 s22, $0x3;
	s22 =	simm.s32 $0x7400  }
0x13: {  	s25 =	simm.s32 $0x2;
	s8 =	simm.s32 $0x3400;
	[dreg:$0x7] =	wrdreg s10  }
0x14: {  	s0 =	sadd.s32 s7, s0;
	s7 =	smul.u32 $0x8C00, s21;
	[dreg:$0x5] =	wrdreg s24  }
0x15: {  	s21 =	simm.s32 $0x180;
	[dreg:$0x8] =	wrdreg s11;
	s0 =	sadd.s32 $0xDE000, s0  }
0x16: {  	s24 =	simm.s32 $0x8800;
	[dreg:$0x4] =	wrdreg s0;
	s0 =	simm.s32 $0x3300  }
.LBB2_1:
0x17: {  	[dreg:$0x3] =	wrdreg s12  }
0x18: {  	s3 =	rddreg [dreg:$0x6]  }
0x19: {  	[spmem:s11], [sflag:s10] =	dma.local [hbm:s3], $0x2800  }
0x1a: {  	_ =	swait.ge [sflag:s13], $0x2800  }
0x1b: {  	[sflag:s13] =	ssyncset.done $0x0  }
0x1c: {  	[sflag:s13] =	ssyncadd.s32 $0xFFFFD800  }
0x1d: {  	s10 =	simm.s32 $0x0;
	[bflag:$0x0] =	sbarrier.arrive $0xFFFF  }
.LBB2_2:
0x1e: {  	s11 =	smul.u32 $0x1C00, s10;
	_ =	sdelay $0x1  }
0x1f: {  	s11 =	sadd.s32 s7, s11  }
0x20: {  	s11 =	sshrl.u32 s11, $0x3  }
0x21: {  	s3 =	simm.s32 $0x0;
	s12 =	sadd.s32 s5, s11  }
0x22: {  	[tilespmem:s3], [sflag:$0x6] =	stream.linear.gather [hbm4b:s12+s3], $0x1900, $0x38;
	[tilespmem:$0x1DC00] =	vst v63  }
0x23: {  	_ =	swait.ge [sflag:s13], $0x1900  }
0x24: {  	[sflag:s13] =	ssyncset.done $0x0  }
0x25: {  	s11 =	sadd.s32 s6, s11;
	[sflag:s13] =	ssyncadd.s32 $0xFFFFE700  }
0x26: {  	[tilespmem:s14], [sflag:$0x6] =	stream.linear.gather [hbm4b:s11+s3], $0x1900, $0x38;
	[tilespmem:$0x1DC00] =	vst v63  }
0x27: {  	_ =	swait.ge [sflag:s13], $0x1900  }
0x28: {  	[sflag:s13] =	ssyncset.done $0x0  }
0x29: {  	[sflag:s13] =	ssyncadd.s32 $0xFFFFE700  }
0x2a: {  	[tilespmem:s16], [sflag:$0x1] =	stream.indirect.gather [hbm4b:s4+s15], $0x80, s3, s15, $0xb8;
	[tilespmem:$0x1DC00] =	vst v63  }
0x2b: {  	_ = 	snop  }
0x2c: {  	[tilespmem:s18], [sflag:$0x2] =	stream.indirect.gather [hbm4b:s4+s15], $0x80, s17, s15, $0xb8;
	[tilespmem:$0x1DC00] =	vst v63  }
0x2d: {  	_ = 	snop  }
0x2e: {  	[tilespmem:s20], [sflag:$0x3] =	stream.indirect.gather [hbm4b:s4+s15], $0x80, s19, s15, $0xb8;
	[tilespmem:$0x1DC00] =	vst v63  }
0x2f: {  	_ = 	snop  }
0x30: {  	[tilespmem:s22], [sflag:$0x4] =	stream.indirect.gather [hbm4b:s4+s15], $0x80, s21, s15, $0xb8;
	[tilespmem:$0x1DC00] =	vst v63  }
0x31: {  	_ =	swait.ge [sflag:s23], $0x1400  }
0x32: {  	[sflag:s23] =	ssyncset.done $0x0  }
0x33: {  	s11 =	simm.s32 $0x200;
	[sflag:s23] =	ssyncadd.s32 $0xFFFFEC00  }
0x34: {  	[tilespmem:s24], [sflag:$0x5] =	stream.indirect.gather [hbm4b:s4+s15], $0x80, s11, s15, $0xb8;
	[tilespmem:$0x1DC00] =	vst v63  }
0x35: {  	s12 =	simm.s32 $0x1C00  }
0x36: {  	[spmem:s1] =	stream.indirect.scatter.add.f32 [tilespmem:s16], [sflag:$0x6], $0x80, s12, s15, $0xb8;
	[tilespmem:$0x1DC00] =	vst v63  }
0x37: {  	_ =	swait.ge [sflag:s13], $0x1400  }
0x38: {  	[sflag:s13] =	ssyncset.done $0x0  }
0x39: {  	[sflag:s13] =	ssyncadd.s32 $0xFFFFEC00  }
0x3a: {  	_ =	swait.ge [sflag:s25], $0x1400  }
0x3b: {  	[sflag:s25] =	ssyncset.done $0x0  }
0x3c: {  	s11 =	simm.s32 $0x280;
	[sflag:s25] =	ssyncadd.s32 $0xFFFFEC00  }
0x3d: {  	[tilespmem:s16], [sflag:$0x1] =	stream.indirect.gather [hbm4b:s4+s15], $0x80, s11, s15, $0xb8;
	[tilespmem:$0x1DC00] =	vst v63  }
0x3e: {  	s12 =	simm.s32 $0x1C80  }
0x3f: {  	[spmem:s1] =	stream.indirect.scatter.add.f32 [tilespmem:s18], [sflag:$0x6], $0x80, s12, s15, $0xb8;
	[tilespmem:$0x1DC00] =	vst v63  }
0x40: {  	_ =	swait.ge [sflag:s13], $0x1400  }
0x41: {  	[sflag:s13] =	ssyncset.done $0x0  }
0x42: {  	[sflag:s13] =	ssyncadd.s32 $0xFFFFEC00  }
0x43: {  	_ =	swait.ge [sflag:s26], $0x1400  }
0x44: {  	[sflag:s26] =	ssyncset.done $0x0  }
0x45: {  	s11 =	simm.s32 $0x300;
	[sflag:s26] =	ssyncadd.s32 $0xFFFFEC00  }
0x46: {  	[tilespmem:s18], [sflag:$0x2] =	stream.indirect.gather [hbm4b:s4+s15], $0x80, s11, s15, $0xb8;
	[tilespmem:$0x1DC00] =	vst v63  }
0x47: {  	s12 =	simm.s32 $0x1D00  }
0x48: {  	[spmem:s1] =	stream.indirect.scatter.add.f32 [tilespmem:s20], [sflag:$0x6], $0x80, s12, s15, $0xb8;
	[tilespmem:$0x1DC00] =	vst v63  }
0x49: {  	_ =	swait.ge [sflag:s13], $0x1400  }
0x4a: {  	[sflag:s13] =	ssyncset.done $0x0  }
0x4b: {  	[sflag:s13] =	ssyncadd.s32 $0xFFFFEC00  }
0x4c: {  	_ =	swait.ge [sflag:s28], $0x1400  }
0x4d: {  	[sflag:s28] =	ssyncset.done $0x0  }
0x4e: {  	s11 =	simm.s32 $0x380;
	[sflag:s28] =	ssyncadd.s32 $0xFFFFEC00  }
0x4f: {  	[tilespmem:s20], [sflag:$0x3] =	stream.indirect.gather [hbm4b:s4+s15], $0x80, s11, s15, $0xb8;
	[tilespmem:$0x1DC00] =	vst v63  }
0x50: {  	s12 =	simm.s32 $0x1D80  }
0x51: {  	[spmem:s1] =	stream.indirect.scatter.add.f32 [tilespmem:s22], [sflag:$0x6], $0x80, s12, s15, $0xb8;
	[tilespmem:$0x1DC00] =	vst v63  }
0x52: {  	_ =	swait.ge [sflag:s13], $0x1400  }
0x53: {  	[sflag:s13] =	ssyncset.done $0x0  }
0x54: {  	[sflag:s13] =	ssyncadd.s32 $0xFFFFEC00  }
0x55: {  	_ =	swait.ge [sflag:s29], $0x1400  }
0x56: {  	[sflag:s29] =	ssyncset.done $0x0  }
0x57: {  	s11 =	simm.s32 $0x400;
	[sflag:s29] =	ssyncadd.s32 $0xFFFFEC00  }
0x58: {  	[tilespmem:s22], [sflag:$0x4] =	stream.indirect.gather [hbm4b:s4+s15], $0x80, s11, s15, $0xb8;
	[tilespmem:$0x1DC00] =	vst v63  }
0x59: {  	s12 =	simm.s32 $0x1E00  }
0x5a: {  	[spmem:s1] =	stream.indirect.scatter.add.f32 [tilespmem:s24], [sflag:$0x6], $0x80, s12, s15, $0xb8;
	[tilespmem:$0x1DC00] =	vst v63  }
0x5b: {  	_ =	swait.ge [sflag:s13], $0x1400  }
0x5c: {  	s11 =	simm.s32 $0xA00;
	[sflag:s13] =	ssyncset.done $0x0  }
.LBB2_3:
0x5d: {  	p0 =	sne.s32 s11, $0x5000  }
0x5e: {  	[sflag:s13] =	ssyncadd.s32 $0xFFFFEC00;
	s3 =	smov.u32 s11;
	s11 =	sadd.s32 $0xA00, s11  }
0x5f: {  	_ = 	snop  }
0x60: {  	_ =	swait.ge [sflag:s23], $0x1400  }
0x61: {  	s12 =	sshra.s32 s3, $0x2;
	[sflag:s23] =	ssyncset.done $0x0  }
0x62: {  	s3 =	sadd.s32 $0x200, s12;
	[sflag:s23] =	ssyncadd.s32 $0xFFFFEC00  }
0x63: {  	[tilespmem:s24], [sflag:$0x5] =	stream.indirect.gather [hbm4b:s4+s15], $0x80, s3, s15, $0xb8;
	[tilespmem:$0x1DC00] =	vst v63  }
0x64: {  	s3 =	sadd.s32 $0x1C00, s12  }
0x65: {  	[spmem:s1] =	stream.indirect.scatter.add.f32 [tilespmem:s16], [sflag:$0x6], $0x80, s3, s15, $0xb8;
	[tilespmem:$0x1DC00] =	vst v63  }
0x66: {  	_ =	swait.ge [sflag:s13], $0x1400  }
0x67: {  	[sflag:s13] =	ssyncset.done $0x0  }
0x68: {  	[sflag:s13] =	ssyncadd.s32 $0xFFFFEC00  }
0x69: {  	_ =	swait.ge [sflag:s25], $0x1400  }
0x6a: {  	[sflag:s25] =	ssyncset.done $0x0  }
0x6b: {  	s3 =	sadd.s32 $0x280, s12;
	[sflag:s25] =	ssyncadd.s32 $0xFFFFEC00  }
0x6c: {  	[tilespmem:s16], [sflag:$0x1] =	stream.indirect.gather [hbm4b:s4+s15], $0x80, s3, s15, $0xb8;
	[tilespmem:$0x1DC00] =	vst v63  }
0x6d: {  	s3 =	sadd.s32 $0x1C80, s12  }
0x6e: {  	[spmem:s1] =	stream.indirect.scatter.add.f32 [tilespmem:s18], [sflag:$0x6], $0x80, s3, s15, $0xb8;
	[tilespmem:$0x1DC00] =	vst v63  }
0x6f: {  	_ =	swait.ge [sflag:s13], $0x1400  }
0x70: {  	[sflag:s13] =	ssyncset.done $0x0  }
0x71: {  	[sflag:s13] =	ssyncadd.s32 $0xFFFFEC00  }
0x72: {  	_ =	swait.ge [sflag:s26], $0x1400  }
0x73: {  	[sflag:s26] =	ssyncset.done $0x0  }
0x74: {  	s3 =	sadd.s32 $0x300, s12;
	[sflag:s26] =	ssyncadd.s32 $0xFFFFEC00  }
0x75: {  	[tilespmem:s18], [sflag:$0x2] =	stream.indirect.gather [hbm4b:s4+s15], $0x80, s3, s15, $0xb8;
	[tilespmem:$0x1DC00] =	vst v63  }
0x76: {  	s3 =	sadd.s32 $0x1D00, s12  }
0x77: {  	[spmem:s1] =	stream.indirect.scatter.add.f32 [tilespmem:s20], [sflag:$0x6], $0x80, s3, s15, $0xb8;
	[tilespmem:$0x1DC00] =	vst v63  }
0x78: {  	_ =	swait.ge [sflag:s13], $0x1400  }
0x79: {  	[sflag:s13] =	ssyncset.done $0x0  }
0x7a: {  	[sflag:s13] =	ssyncadd.s32 $0xFFFFEC00  }
0x7b: {  	_ =	swait.ge [sflag:s28], $0x1400  }
0x7c: {  	[sflag:s28] =	ssyncset.done $0x0  }
0x7d: {  	s3 =	sadd.s32 $0x380, s12;
	[sflag:s28] =	ssyncadd.s32 $0xFFFFEC00  }
0x7e: {  	[tilespmem:s20], [sflag:$0x3] =	stream.indirect.gather [hbm4b:s4+s15], $0x80, s3, s15, $0xb8;
	[tilespmem:$0x1DC00] =	vst v63  }
0x7f: {  	s3 =	sadd.s32 $0x1D80, s12  }
0x80: {  	[spmem:s1] =	stream.indirect.scatter.add.f32 [tilespmem:s22], [sflag:$0x6], $0x80, s3, s15, $0xb8;
	[tilespmem:$0x1DC00] =	vst v63  }
0x81: {  	_ =	swait.ge [sflag:s13], $0x1400  }
0x82: {  	[sflag:s13] =	ssyncset.done $0x0  }
0x83: {  	[sflag:s13] =	ssyncadd.s32 $0xFFFFEC00  }
0x84: {  	_ =	swait.ge [sflag:s29], $0x1400  }
0x85: {  	[sflag:s29] =	ssyncset.done $0x0  }
0x86: {  	s3 =	sadd.s32 $0x400, s12;
	[sflag:s29] =	ssyncadd.s32 $0xFFFFEC00  }
0x87: {  	[tilespmem:s22], [sflag:$0x4] =	stream.indirect.gather [hbm4b:s4+s15], $0x80, s3, s15, $0xb8;
	[tilespmem:$0x1DC00] =	vst v63  }
.Ltmp0:
0x88: {  	_ = 	snop;
	(pc) =	sbr.rel @p0 .LBB2_3-.Ltmp0, $4  }
0x89: {  	s3 =	sadd.s32 $0x1E00, s12  }
0x8a: {  	[spmem:s1] =	stream.indirect.scatter.add.f32 [tilespmem:s24], [sflag:$0x6], $0x80, s3, s15, $0xb8;
	[tilespmem:$0x1DC00] =	vst v63  }
0x8b: {  	_ =	swait.ge [sflag:s13], $0x1400  }
0x8c: {  	[sflag:s13] =	ssyncset.done $0x0  }
0x8d: {  	[sflag:s13] =	ssyncadd.s32 $0xFFFFEC00  }
0x8e: {  	_ =	swait.ge [sflag:s23], $0x1400  }
0x8f: {  	[sflag:s23] =	ssyncset.done $0x0  }
0x90: {  	[sflag:s23] =	ssyncadd.s32 $0xFFFFEC00  }
0x91: {  	[tilespmem:s24], [sflag:$0x5] =	stream.indirect.gather [hbm4b:s4+s15], $0x80, s30, s15, $0xb8;
	[tilespmem:$0x1DC00] =	vst v63  }
0x92: {  	_ = 	snop  }
0x93: {  	[spmem:s1] =	stream.indirect.scatter.add.f32 [tilespmem:s16], [sflag:$0x6], $0x80, s31, s15, $0xb8;
	[tilespmem:$0x1DC00] =	vst v63  }
0x94: {  	_ =	swait.ge [sflag:s13], $0x1400  }
0x95: {  	[sflag:s13] =	ssyncset.done $0x0  }
0x96: {  	[sflag:s13] =	ssyncadd.s32 $0xFFFFEC00  }
0x97: {  	_ =	swait.ge [sflag:s25], $0x1400  }
0x98: {  	[sflag:s25] =	ssyncset.done $0x0  }
0x99: {  	[sflag:s25] =	ssyncadd.s32 $0xFFFFEC00  }
0x9a: {  	[spmem:s1] =	stream.indirect.scatter.add.f32 [tilespmem:s18], [sflag:$0x6], $0x80, s0, s15, $0xb8;
	[tilespmem:$0x1DC00] =	vst v63  }
0x9b: {  	_ =	swait.ge [sflag:s13], $0x1400  }
0x9c: {  	[sflag:s13] =	ssyncset.done $0x0  }
0x9d: {  	[sflag:s13] =	ssyncadd.s32 $0xFFFFEC00  }
0x9e: {  	_ =	swait.ge [sflag:s26], $0x1400  }
0x9f: {  	[sflag:s26] =	ssyncset.done $0x0  }
0xa0: {  	[sflag:s26] =	ssyncadd.s32 $0xFFFFEC00  }
0xa1: {  	[spmem:s1] =	stream.indirect.scatter.add.f32 [tilespmem:s20], [sflag:$0x6], $0x80, s2, s15, $0xb8;
	[tilespmem:$0x1DC00] =	vst v63  }
0xa2: {  	_ =	swait.ge [sflag:s13], $0x1400  }
0xa3: {  	[sflag:s13] =	ssyncset.done $0x0  }
0xa4: {  	[sflag:s13] =	ssyncadd.s32 $0xFFFFEC00  }
0xa5: {  	_ =	swait.ge [sflag:s28], $0x1400  }
0xa6: {  	[sflag:s28] =	ssyncset.done $0x0  }
0xa7: {  	[sflag:s28] =	ssyncadd.s32 $0xFFFFEC00  }
0xa8: {  	[spmem:s1] =	stream.indirect.scatter.add.f32 [tilespmem:s22], [sflag:$0x6], $0x80, s8, s15, $0xb8;
	[tilespmem:$0x1DC00] =	vst v63  }
0xa9: {  	_ =	swait.ge [sflag:s13], $0x1400  }
0xaa: {  	[sflag:s13] =	ssyncset.done $0x0  }
0xab: {  	[sflag:s13] =	ssyncadd.s32 $0xFFFFEC00  }
0xac: {  	s10 =	sadd.s32 $0x1, s10;
	_ =	swait.ge [sflag:s29], $0x1400  }
0xad: {  	p0 =	sne.s32 s10, $0x5;
	[sflag:s29] =	ssyncset.done $0x0  }
.Ltmp1:
0xae: {  	[sflag:s29] =	ssyncadd.s32 $0xFFFFEC00;
	(pc) =	sbr.rel @p0 .LBB2_2-.Ltmp1, $4  }
0xaf: {  	[spmem:s1] =	stream.indirect.scatter.add.f32 [tilespmem:s24], [sflag:$0x6], $0x80, s9, s15, $0xb8;
	[tilespmem:$0x1DC00] =	vst v63  }
0xb0: {  	_ =	swait.ge [sflag:s13], $0x1400  }
0xb1: {  	[sflag:s13] =	ssyncset.done $0x0  }
0xb2: {  	[sflag:s13] =	ssyncadd.s32 $0xFFFFEC00  }
0xb3: {  	[bflag:$0x0] =	sbarrier.arrive $0xFFFF  }
0xb4: {  	s3 =	rddreg [dreg:$0x4]  }
0xb5: {  	s10 =	rddreg [dreg:$0x7]  }
0xb6: {  	s11 =	rddreg [dreg:$0x8]  }
0xb7: {  	[hbm:s3], [sflag:s10] =	dma.local [spmem:s11], $0x2800  }
0xb8: {  	_ =	swait.ge [sflag:s13], $0x2800  }
0xb9: {  	s12 =	rddreg [dreg:$0x3]  }
0xba: {  	s3 =	rddreg [dreg:$0x5];
	s12 =	sadd.s32 $0x1, s12  }
0xbb: {  	p0 =	sne.s32 s12, s3  }
.Ltmp2:
0xbc: {  	_ = 	snop;
	(pc) =	sbr.rel @p0 .LBB2_1-.Ltmp2, $3  }
0xbd: {  	_ =	sdelay $0x1  }
0xbe: {  	[sflag:s13] =	ssyncset.done $0x0  }
0xbf: {  	[sflag:s13] =	ssyncadd.s32 $0xFFFFD800  }
0xc0: {  	_ =	sfence.sel $0x180000  }
0xc1: {  	[bflag:$0x0] =	sbarrier.arrive $0xFFFF  }
0xc2: {  	_ =	strace $0x9000004A  }
0xc3: {  	s0 =	stileid.u32;
	[bflag:$0x2] =	sbarrier.arrive $0xFFFF  }
0xc4: {  	p0 =	sne.s32 s0, $0x0;
	s0 =	rddreg [dreg:$0x2]  }
0xc5: {  	s0 =	sadd.s32 @!p0 $0x100000, s0  }
0xc6: {  	[sflag:s0] =	ssyncadd.tile.s32 @!p0 $0x1;
	_ =	shalt  }
.Lfunc_end2:
_tile_overlayer_lowered:
.L_overlay_start_2:
0xc7: {  	(tag) =	ssettag $0x2  }
0xc8: {  	s0 =	rddreg [dreg:$0x0];
	s2 =	stileid.u32  }
0xc9: {  	s1 =	rddreg [dreg:$0x1];
	p0 =	sne.s32 s2, $0x0  }
0xca: {  	s3 =	rddreg [dreg:$0x2];
	[bflag:$0x3] =	sbarrier.arrive $0xFFFF;
	s2 =	simm.s32 @!p0 $0x1C06  }
0xcb: {  	[timem:s3], [sflag:s2] =	dma.local @!p0 [hbm:s0], s1  }
0xcc: {  	s0 =	simm.s32 @!p0 $0x6  }
0xcd: {  	_ =	swait.ge @!p0 [sflag:s0], s1  }
0xce: {  	s1 =	ssub.s32 @!p0 $0x0, s1;
	[sflag:s0] =	ssyncset.done @!p0 $0x0  }
0xcf: {  	[sflag:s0] =	ssyncadd.s32 @!p0 s1  }
0xd0: {  	[bflag:$0x3] =	sbarrier.arrive $0xFFFF  }
0xd1: {  	_ =	shalt  }

// kernel: kernel.15.cloned.1.call-start
scs
__scs_entry_jumppad:
0x0: {  	(pc) =	sbr.rel $0x88, $3  }
0x1: {  	(tag) =	ssettag $0x0;
	lr =	simm.s32 $0x1  }
0x2: {  	[smem:$0x3F99] =	sst lr;
	_ =	strace $0xD0000000  }
0x3: {  	_ = 	snop  }
0x4: {  	_ = 	snop  }
0x5: {  	_ = 	snop  }
0x6: {  	_ = 	snop  }
0x7: {  	_ = 	snop  }
__scs_overlays_trampoline_lowered:
0x8: {  	[smem:$0x3FA8] =	sst s0  }
0x9: {  	[smem:$0x3FA9] =	sst s1  }
0xa: {  	[smem:$0x3FAA] =	sst s2  }
0xb: {  	[smem:$0x3FAB] =	sst s3  }
0xc: {  	[smem:$0x3FAC] =	sst s4  }
0xd: {  	[smem:$0x3FAD] =	sst s5  }
0xe: {  	[smem:$0x3FAE] =	sst s6  }
0xf: {  	[smem:$0x3FAF] =	sst s7  }
0x10: {  	[smem:$0x3FB0] =	sst s8  }
0x11: {  	[smem:$0x3FB1] =	sst s9;
	s0 =	simm.s32 @!p0 $0x0  }
0x12: {  	s1 =	sld [smem:$0x3F97];
	s0 =	simm.s32 @p0 $0x1  }
0x13: {  	[smem:$0x3FB2] =	sst s0;
	s0 =	simm.s32 @!p1 $0x0  }
0x14: {  	s2 =	sld [smem:$0x3F96];
	s0 =	simm.s32 @p1 $0x1  }
0x15: {  	[smem:$0x3FB3] =	sst s0;
	s0 =	simm.s32 @!p2 $0x0  }
0x16: {  	s3 =	sld [smem:$0x3FDB];
	s0 =	simm.s32 @p2 $0x1  }
0x17: {  	s4 =	simm.s32 $0x1BF5;
	[smem:$0x3FB5] =	sst s0  }
0x18: {  	s0 =	sld [smem:$0x3F98];
	_ =	swait.ge [sflag:s4], $0x0  }
0x19: {  	s7 =	sld [smem:$0x3F99]  }
0x1a: {  	s8 =	sadd.s32 $0xFFFFE003, lr  }
0x1b: {  	s9 =	sadd.s32 $0xFFFFFEF7, lr;
	s5 =	simm.s32 $0xFFFFFFFF;
	p2 =	slt.u32 s8, $0xFFFFF086  }
0x1c: {  	p1 =	slt.u32 s9, $0xF7A;
	s5 =	simm.s32 @!p2 $0x0  }
0x1d: {  	s5 =	simm.s32 @p1 $0x1;
	p0 =	seq.s32 s7, s2  }
0x1e: {  	s7 =	smul.u32 @!p0 $0xF7A, s2;
	p2 =	seq.s32 @!p0 s5, $0x0  }
0x1f: {  	s9 =	smul.u32 $0xF7A, s1;
	s8 =	simm.s32 @!p0 $0x1BF5;
	p2 =	por !p2, p0  }
0x20: {  	[sflag:s8] =	ssyncset.s32 @!p0 $0xFFFFF086;
	s6 =	sadd.s32 @!p0 s3, s7;
	s7 =	simm.s32 @!p0 $0x108  }
0x21: {  	s3 =	sadd.s32 s3, s9;
	s6 =	sadd.s32 @!p0 $0x88, s6;
	s7 =	simm.s32 @p2 $0x1082  }
0x22: {  	[simem:s7], [sflag:s8] =	dma.local @!p0 [hbm:s6], $0xF7A  }
0x23: {  	s9 =	sor.u32 $0xD0000000, s2;
	s6 =	simm.s32 $0x108;
	_ =	swait.ge @!p0 [sflag:s8], $0x0  }
0x24: {  	s3 =	sadd.s32 $0x88, s3;
	s6 =	simm.s32 @!p1 $0x1082;
	[sflag:s4] =	ssyncset.s32 $0xFFFFF086  }
0x25: {  	[simem:s6], [sflag:s4] =	dma.local [hbm:s3], $0xF7A  }
0x26: {  	[smem:$0x3F99] =	sst s1;
	(tag) =	ssettag s2;
	_ =	strace s9  }
0x27: {  	s1 =	sld [smem:$0x3FA9]  }
0x28: {  	s2 =	sld [smem:$0x3FAA]  }
0x29: {  	s4 =	sld [smem:$0x3FAC]  }
0x2a: {  	p0 =	seq.s32 s5, $0x0;
	s5 =	sld [smem:$0x3FAD]  }
0x2b: {  	s6 =	sld [smem:$0x3FAE]  }
0x2c: {  	s7 =	sld [smem:$0x3FAF]  }
0x2d: {  	s3 =	simm.s32 $0x108;
	s8 =	sld [smem:$0x3FB0]  }
0x2e: {  	s3 =	simm.s32 @!p0 $0x1082;
	s9 =	sld [smem:$0x3FB1]  }
0x2f: {  	lr =	sadd.s32 s0, s3;
	s0 =	sld [smem:$0x3FA8]  }
0x30: {  	s3 =	sld [smem:$0x3FAB]  }
0x31: {  	[smem:$0x3FB4] =	sst s10  }
0x32: {  	s10 =	sld [smem:$0x3FB2];
	_ =	sdelay $0x3  }
0x33: {  	p0 =	seq.s32 s10, $0x1;
	s10 =	sld [smem:$0x3FB4];
	_ =	sdelay $0x3  }
0x34: {  	[smem:$0x3FB4] =	sst s10  }
0x35: {  	s10 =	sld [smem:$0x3FB3];
	_ =	sdelay $0x3  }
0x36: {  	p1 =	seq.s32 s10, $0x1;
	s10 =	sld [smem:$0x3FB4];
	_ =	sdelay $0x3  }
0x37: {  	[smem:$0x3FB4] =	sst s10  }
0x38: {  	s10 =	sld [smem:$0x3FB5]  }
0x39: {  	_ = 	snop;
	(pc) =	sbr.ind lr, $3  }
0x3a: {  	_ = 	snop  }
0x3b: {  	_ = 	snop  }
0x3c: {  	p2 =	seq.s32 s10, $0x1;
	s10 =	sld [smem:$0x3FB4]  }
0x3d: {  	_ =	shalt  }
0x3e: {  	_ =	shalt  }
0x3f: {  	_ =	shalt  }
0x40: {  	_ =	shalt  }
0x41: {  	_ =	shalt  }
0x42: {  	_ =	shalt  }
0x43: {  	_ =	shalt  }
0x44: {  	_ =	shalt  }
0x45: {  	_ =	shalt  }
0x46: {  	_ =	shalt  }
0x47: {  	_ =	shalt  }
0x48: {  	_ =	shalt  }
0x49: {  	_ =	shalt  }
0x4a: {  	_ =	shalt  }
0x4b: {  	_ =	shalt  }
0x4c: {  	_ =	shalt  }
0x4d: {  	_ =	shalt  }
0x4e: {  	_ =	shalt  }
0x4f: {  	_ =	shalt  }
0x50: {  	_ =	shalt  }
0x51: {  	_ =	shalt  }
0x52: {  	_ =	shalt  }
0x53: {  	_ =	shalt  }
0x54: {  	_ =	shalt  }
0x55: {  	_ =	shalt  }
0x56: {  	_ =	shalt  }
0x57: {  	_ =	shalt  }
0x58: {  	_ =	shalt  }
0x59: {  	_ =	shalt  }
0x5a: {  	_ =	shalt  }
0x5b: {  	_ =	shalt  }
0x5c: {  	_ =	shalt  }
0x5d: {  	_ =	shalt  }
0x5e: {  	_ =	shalt  }
0x5f: {  	_ =	shalt  }
0x60: {  	_ =	shalt  }
0x61: {  	_ =	shalt  }
0x62: {  	_ =	shalt  }
0x63: {  	_ =	shalt  }
0x64: {  	_ =	shalt  }
0x65: {  	_ =	shalt  }
0x66: {  	_ =	shalt  }
0x67: {  	_ =	shalt  }
0x68: {  	_ =	shalt  }
0x69: {  	_ =	shalt  }
0x6a: {  	_ =	shalt  }
0x6b: {  	_ =	shalt  }
0x6c: {  	_ =	shalt  }
0x6d: {  	_ =	shalt  }
0x6e: {  	_ =	shalt  }
0x6f: {  	_ =	shalt  }
0x70: {  	_ =	shalt  }
0x71: {  	_ =	shalt  }
0x72: {  	_ =	shalt  }
0x73: {  	_ =	shalt  }
0x74: {  	_ =	shalt  }
0x75: {  	_ =	shalt  }
0x76: {  	_ =	shalt  }
0x77: {  	_ =	shalt  }
0x78: {  	_ =	shalt  }
0x79: {  	_ =	shalt  }
0x7a: {  	_ =	shalt  }
0x7b: {  	_ =	shalt  }
0x7c: {  	_ =	shalt  }
0x7d: {  	_ =	shalt  }
0x7e: {  	_ =	shalt  }
0x7f: {  	_ =	shalt  }
0x80: {  	_ =	shalt  }
0x81: {  	_ =	shalt  }
0x82: {  	_ =	shalt  }
0x83: {  	_ =	shalt  }
0x84: {  	_ =	shalt  }
0x85: {  	_ =	shalt  }
0x86: {  	_ =	shalt  }
0x87: {  	_ =	shalt  }
.Lfunc_end0:
.L_simem_size_0:
called_computation.2_lowered:
.L_overlay_start_0:
0x88: {  	s2 =	sld [smem:$0x3FD9]  }
0x89: {  	s3 =	sld [smem:$0x3FFE];
	_ =	sdelay $0x1  }
0x8a: {  	s1 =	srdreg.scid  }
0x8b: {  	s0 =	sand.u32 $0x1, s1  }
0x8c: {  	s16 =	sshll.u32 s0, $0xA;
	s2 =	sadd.s32 s3, s2  }
0x8d: {  	s2 =	sadd.s32 s2, s16  }
0x8e: {  	[smem:$0x3FC0] =	sst s2  }
0x8f: {  	_ = 	snop  }
0x90: {  	(tm) =	ssettm $0x1  }
0x91: {  	s17 =	sld [smem:$0x3FFB];
	_ =	sdelay $0x3  }
0x92: {  	_ =	strace s17  }
0x93: {  	s2 =	sld [smem:$0x3FFC];
	_ =	sdelay $0x3  }
0x94: {  	_ =	strace s2  }
0x95: {  	s2 =	sld [smem:$0x3FFD];
	_ =	sdelay $0x3  }
0x96: {  	_ =	strace s2  }
0x97: {  	_ =	strace $0x8FFFFFFF  }
0x98: {  	s18 =	sld [smem:$0x3FDB];
	_ =	sdelay $0x1  }
0x99: {  	s19 =	simm.s32 $_scs_section_size  }
0x9a: {  	s4 =	simm.s32 $_size__tile_overlayer_lowered;
	s5 =	simm.s32 $_tile_overlayer_lowered  }
0x9b: {  	s22 =	simm.s32 $0x1BFF;
	s21 =	sshll.u32 s5, $0x1;
	s2 =	sadd.s32 s19, s18  }
0x9c: {  	s6 =	simm.s32 $0x0;
	s20 =	sshll.u32 s4, $0x1;
	s4 =	sadd.s32 s21, s2  }
0x9d: {  	[timem:s6], [sflag:s22] =	dma.local [hbm:s4], s20  }
0x9e: {  	_ =	swait.ge [sflag:s22], s20  }
0x9f: {  	s3 =	ssub.s32 $0x0, s20;
	[sflag:s22] =	ssyncset.done $0x0  }
0xa0: {  	[sflag:s22] =	ssyncadd.s32 s3;
	_ =	sdelay $0x1  }
0xa1: {  	s23 =	simm.s32 $0x1B8B  }
0xa2: {  	_ =	swait.ge [sflag:s23], $0x1  }
0xa3: {  	[sflag:s23] =	ssyncset.done $0x0  }
0xa4: {  	s25 =	simm.s32 $0x1B8E;
	s24 =	sld [smem:$0x3FFE];
	[sflag:s23] =	ssyncadd.s32 $0xFFFFFFFF  }
0xa5: {  	s26 =	simm.s32 $execute0_lowered;
	[smem:$0x3FD2] =	sst s25  }
0xa6: {  	s4 =	sshll.u32 s26, $0x1;
	_ =	strace $0x8000004C;
	[dreg:$0x1] =	wrdreg $0xFFFFFFFF  }
0xa7: {  	s28 =	simm.s32 $_size_execute0_lowered;
	s2 =	sadd.s32 s2, s4;
	[dreg:$0x0] =	wrdreg $0x0  }
0xa8: {  	s4 =	sshll.u32 s28, $0x1;
	[dreg:$0x2] =	wrdreg s2  }
0xa9: {  	[dreg:$0x3] =	wrdreg s4  }
0xaa: {  	[dreg:$0x4] =	wrdreg $0xC0  }
0xab: {  	_ =	task [dreg:s6], $0x5FFFF  }
0xac: {  	[dreg:$0x1] =	wrdreg $0xFFFFFFFF  }
0xad: {  	[dreg:$0x0] =	wrdreg $0x60  }
0xae: {  	[dreg:$0x2] =	wrdreg s24  }
0xaf: {  	[dreg:$0x3] =	wrdreg $0x9C000  }
0xb0: {  	[dreg:$0x4] =	wrdreg $0x9  }
0xb1: {  	_ =	task.clear_ibuf [dreg:s6], $0x5FFFF;
	_ =	strace $0x9000004C  }
0xb2: {  	s29 =	simm.s32 $0x9;
	_ =	strace $0x8000004E  }
0xb3: {  	_ =	swait.ge [sflag:s29], $0x1  }
0xb4: {  	[sflag:s29] =	ssyncadd.s32 $0xFFFFFFFF  }
0xb5: {  	_ =	strace $0x9000004E  }
0xb6: {  	_ =	sfence  }
0xb7: {  	s30 =	sld [smem:$0x0];
	_ =	sdelay $0x2  }
0xb8: {  	s31 =	sshll.u32 s1, $0xD;
	s1 =	sshrl.u32 s1, $0x2  }
0xb9: {  	s3 =	sand.u32 $0x4000, s31;
	s1 =	sadd.s32 s1, s30  }
0xba: {  	s0 =	sor.u32 s3, s0;
	s1 =	sshll.u32 s1, $0x11  }
0xbb: {  	s0 =	sor.u32 s1, s0  }
0xbc: {  	s0 =	sadd.s32 $0x8F2B, s0  }
0xbd: {  	[sflag:s0] =	ssyncadd.remote.s32 $0x1  }
0xbe: {  	_ =	sfence.sel $0xFFFF  }
0xbf: {  	[dreg:$0x0] =	wrdreg $0xFFFFFFFF;
	(pc) =	sbr.abs _section_cstart, $3  }
0xc0: {  	[dreg:$0x1] =	wrdreg $0xFFFFFFFF  }
0xc1: {  	_ =	task.clear_ibuf [dreg:s6], $0x2FFFF;
	_ =	strace $0x9FFFFFFF  }
0xc2: {  	(tm) =	ssettm $0x7FFFFFFF  }
0xc3: {  	_ =	shalt  }
tec
execute0_lowered:
.L_overlay_start_1:
0x0: {  	(tag) =	ssettag $0x1  }
0x1: {  	s0 =	rddreg [dreg:$0x0]  }
0x2: {  	s1 =	rddreg [dreg:$0x1];
	s2 =	srdreg.scid  }
0x3: {  	s12 =	simm.s32 $0x0;
	s3 =	stileid.u32;
	s13 =	simm.s32 $0x6  }
0x4: {  	s14 =	simm.s32 $0x1C00;
	s15 =	simm.s32 $0x28;
	s16 =	simm.s32 $0x3800  }
0x5: {  	s17 =	simm.s32 $0x80;
	s18 =	simm.s32 $0x4C00;
	s28 =	simm.s32 $0x4  }
0x6: {  	s29 =	simm.s32 $0x5;
	s30 =	simm.s32 $0x1880;
	s31 =	simm.s32 $0x3280  }
0x7: {  	s2 =	sand.u32 $0x1, s2;
	[smem:$0x7FF] =	sst s12;
	s8 =	smul.u32 $0x14000, s3  }
0x8: {  	s4 =	sadd.s32 $0x66000, s0;
	s9 =	sadd.s32 $0xB6000, s0;
	s10 =	smul.u32 $0x50000, s3  }
0x9: {  	s5 =	sadd.s32 $0x43000, s0;
	s6 =	sadd.s32 $0x20000, s0;
	s23 =	smul.u32 $0x2800, s3  }
0xa: {  	s11 =	sshll.u32 s3, $0x1;
	s26 =	sshll.u32 s3, $0x6;
	s7 =	smul.u32 $0x140000, s2  }
0xb: {  	_ =	strace $0x8000004D;
	s19 =	ssub.s32 $0x2, s2;
	s21 =	sor.u32 s2, s11  }
0xc: {  	p0 =	seq.s32 s2, $0x1;
	s11 =	smov.u32 s4;
	s2 =	simm.s32 $0x3380  }
0xd: {  	s20 =	sshrl.u32 s19, $0x1;
	s10 =	sshrl.u32 s10, $0x2;
	s11 =	smov.u32 @p0 s9  }
0xe: {  	s9 =	simm.s32 $0x3480;
	s7 =	sadd.s32 s8, s7;
	s8 =	ssub.s32 s19, s20  }
0xf: {  	s22 =	sadd.s32 s10, s1;
	s25 =	sadd.s32 s11, s23;
	s10 =	sor.u32 $0x1C06, s26  }
0x10: {  	s19 =	simm.s32 $0x100;
	s20 =	simm.s32 $0x6000;
	s23 =	simm.s32 $0x1  }
0x11: {  	s26 =	simm.s32 $0x3;
	s7 =	sshrl.u32 s7, $0x3;
	s24 =	smax.u32 s8, $0x1  }
0x12: {  	[dreg:$0x6] =	wrdreg s25;
	s11 =	sshrl.u32 s22, $0x3;
	s22 =	simm.s32 $0x7400  }
0x13: {  	s25 =	simm.s32 $0x2;
	s8 =	simm.s32 $0x3400;
	[dreg:$0x7] =	wrdreg s10  }
0x14: {  	s0 =	sadd.s32 s7, s0;
	s7 =	smul.u32 $0x8C00, s21;
	[dreg:$0x5] =	wrdreg s24  }
0x15: {  	s21 =	simm.s32 $0x180;
	[dreg:$0x8] =	wrdreg s11;
	s0 =	sadd.s32 $0xDE000, s0  }
0x16: {  	s24 =	simm.s32 $0x8800;
	[dreg:$0x4] =	wrdreg s0;
	s0 =	simm.s32 $0x3300  }
.LBB2_1:
0x17: {  	[dreg:$0x3] =	wrdreg s12  }
0x18: {  	s3 =	rddreg [dreg:$0x6]  }
0x19: {  	[spmem:s11], [sflag:s10] =	dma.local [hbm:s3], $0x2800  }
0x1a: {  	_ =	swait.ge [sflag:s13], $0x2800  }
0x1b: {  	[sflag:s13] =	ssyncset.done $0x0  }
0x1c: {  	[sflag:s13] =	ssyncadd.s32 $0xFFFFD800  }
0x1d: {  	s10 =	simm.s32 $0x0;
	[bflag:$0x0] =	sbarrier.arrive $0xFFFF  }
.LBB2_2:
0x1e: {  	s11 =	smul.u32 $0x1C00, s10;
	_ =	sdelay $0x1  }
0x1f: {  	s11 =	sadd.s32 s7, s11  }
0x20: {  	s11 =	sshrl.u32 s11, $0x3  }
0x21: {  	s3 =	simm.s32 $0x0;
	s12 =	sadd.s32 s5, s11  }
0x22: {  	[tilespmem:s3], [sflag:$0x6] =	stream.linear.gather [hbm4b:s12+s3], $0x1900, $0x38;
	[tilespmem:$0x1DC00] =	vst v63  }
0x23: {  	_ =	swait.ge [sflag:s13], $0x1900  }
0x24: {  	[sflag:s13] =	ssyncset.done $0x0  }
0x25: {  	s11 =	sadd.s32 s6, s11;
	[sflag:s13] =	ssyncadd.s32 $0xFFFFE700  }
0x26: {  	[tilespmem:s14], [sflag:$0x6] =	stream.linear.gather [hbm4b:s11+s3], $0x1900, $0x38;
	[tilespmem:$0x1DC00] =	vst v63  }
0x27: {  	_ =	swait.ge [sflag:s13], $0x1900  }
0x28: {  	[sflag:s13] =	ssyncset.done $0x0  }
0x29: {  	[sflag:s13] =	ssyncadd.s32 $0xFFFFE700  }
0x2a: {  	[tilespmem:s16], [sflag:$0x1] =	stream.indirect.gather [hbm4b:s4+s15], $0x80, s3, s15, $0xb8;
	[tilespmem:$0x1DC00] =	vst v63  }
0x2b: {  	_ = 	snop  }
0x2c: {  	[tilespmem:s18], [sflag:$0x2] =	stream.indirect.gather [hbm4b:s4+s15], $0x80, s17, s15, $0xb8;
	[tilespmem:$0x1DC00] =	vst v63  }
0x2d: {  	_ = 	snop  }
0x2e: {  	[tilespmem:s20], [sflag:$0x3] =	stream.indirect.gather [hbm4b:s4+s15], $0x80, s19, s15, $0xb8;
	[tilespmem:$0x1DC00] =	vst v63  }
0x2f: {  	_ = 	snop  }
0x30: {  	[tilespmem:s22], [sflag:$0x4] =	stream.indirect.gather [hbm4b:s4+s15], $0x80, s21, s15, $0xb8;
	[tilespmem:$0x1DC00] =	vst v63  }
0x31: {  	_ =	swait.ge [sflag:s23], $0x1400  }
0x32: {  	[sflag:s23] =	ssyncset.done $0x0  }
0x33: {  	s11 =	simm.s32 $0x200;
	[sflag:s23] =	ssyncadd.s32 $0xFFFFEC00  }
0x34: {  	[tilespmem:s24], [sflag:$0x5] =	stream.indirect.gather [hbm4b:s4+s15], $0x80, s11, s15, $0xb8;
	[tilespmem:$0x1DC00] =	vst v63  }
0x35: {  	s12 =	simm.s32 $0x1C00  }
0x36: {  	[spmem:s1] =	stream.indirect.scatter.add.f32 [tilespmem:s16], [sflag:$0x6], $0x80, s12, s15, $0xb8;
	[tilespmem:$0x1DC00] =	vst v63  }
0x37: {  	_ =	swait.ge [sflag:s13], $0x1400  }
0x38: {  	[sflag:s13] =	ssyncset.done $0x0  }
0x39: {  	[sflag:s13] =	ssyncadd.s32 $0xFFFFEC00  }
0x3a: {  	_ =	swait.ge [sflag:s25], $0x1400  }
0x3b: {  	[sflag:s25] =	ssyncset.done $0x0  }
0x3c: {  	s11 =	simm.s32 $0x280;
	[sflag:s25] =	ssyncadd.s32 $0xFFFFEC00  }
0x3d: {  	[tilespmem:s16], [sflag:$0x1] =	stream.indirect.gather [hbm4b:s4+s15], $0x80, s11, s15, $0xb8;
	[tilespmem:$0x1DC00] =	vst v63  }
0x3e: {  	s12 =	simm.s32 $0x1C80  }
0x3f: {  	[spmem:s1] =	stream.indirect.scatter.add.f32 [tilespmem:s18], [sflag:$0x6], $0x80, s12, s15, $0xb8;
	[tilespmem:$0x1DC00] =	vst v63  }
0x40: {  	_ =	swait.ge [sflag:s13], $0x1400  }
0x41: {  	[sflag:s13] =	ssyncset.done $0x0  }
0x42: {  	[sflag:s13] =	ssyncadd.s32 $0xFFFFEC00  }
0x43: {  	_ =	swait.ge [sflag:s26], $0x1400  }
0x44: {  	[sflag:s26] =	ssyncset.done $0x0  }
0x45: {  	s11 =	simm.s32 $0x300;
	[sflag:s26] =	ssyncadd.s32 $0xFFFFEC00  }
0x46: {  	[tilespmem:s18], [sflag:$0x2] =	stream.indirect.gather [hbm4b:s4+s15], $0x80, s11, s15, $0xb8;
	[tilespmem:$0x1DC00] =	vst v63  }
0x47: {  	s12 =	simm.s32 $0x1D00  }
0x48: {  	[spmem:s1] =	stream.indirect.scatter.add.f32 [tilespmem:s20], [sflag:$0x6], $0x80, s12, s15, $0xb8;
	[tilespmem:$0x1DC00] =	vst v63  }
0x49: {  	_ =	swait.ge [sflag:s13], $0x1400  }
0x4a: {  	[sflag:s13] =	ssyncset.done $0x0  }
0x4b: {  	[sflag:s13] =	ssyncadd.s32 $0xFFFFEC00  }
0x4c: {  	_ =	swait.ge [sflag:s28], $0x1400  }
0x4d: {  	[sflag:s28] =	ssyncset.done $0x0  }
0x4e: {  	s11 =	simm.s32 $0x380;
	[sflag:s28] =	ssyncadd.s32 $0xFFFFEC00  }
0x4f: {  	[tilespmem:s20], [sflag:$0x3] =	stream.indirect.gather [hbm4b:s4+s15], $0x80, s11, s15, $0xb8;
	[tilespmem:$0x1DC00] =	vst v63  }
0x50: {  	s12 =	simm.s32 $0x1D80  }
0x51: {  	[spmem:s1] =	stream.indirect.scatter.add.f32 [tilespmem:s22], [sflag:$0x6], $0x80, s12, s15, $0xb8;
	[tilespmem:$0x1DC00] =	vst v63  }
0x52: {  	_ =	swait.ge [sflag:s13], $0x1400  }
0x53: {  	[sflag:s13] =	ssyncset.done $0x0  }
0x54: {  	[sflag:s13] =	ssyncadd.s32 $0xFFFFEC00  }
0x55: {  	_ =	swait.ge [sflag:s29], $0x1400  }
0x56: {  	[sflag:s29] =	ssyncset.done $0x0  }
0x57: {  	s11 =	simm.s32 $0x400;
	[sflag:s29] =	ssyncadd.s32 $0xFFFFEC00  }
0x58: {  	[tilespmem:s22], [sflag:$0x4] =	stream.indirect.gather [hbm4b:s4+s15], $0x80, s11, s15, $0xb8;
	[tilespmem:$0x1DC00] =	vst v63  }
0x59: {  	s12 =	simm.s32 $0x1E00  }
0x5a: {  	[spmem:s1] =	stream.indirect.scatter.add.f32 [tilespmem:s24], [sflag:$0x6], $0x80, s12, s15, $0xb8;
	[tilespmem:$0x1DC00] =	vst v63  }
0x5b: {  	_ =	swait.ge [sflag:s13], $0x1400  }
0x5c: {  	s11 =	simm.s32 $0xA00;
	[sflag:s13] =	ssyncset.done $0x0  }
.LBB2_3:
0x5d: {  	p0 =	sne.s32 s11, $0x5000  }
0x5e: {  	[sflag:s13] =	ssyncadd.s32 $0xFFFFEC00;
	s3 =	smov.u32 s11;
	s11 =	sadd.s32 $0xA00, s11  }
0x5f: {  	_ = 	snop  }
0x60: {  	_ =	swait.ge [sflag:s23], $0x1400  }
0x61: {  	s12 =	sshra.s32 s3, $0x2;
	[sflag:s23] =	ssyncset.done $0x0  }
0x62: {  	s3 =	sadd.s32 $0x200, s12;
	[sflag:s23] =	ssyncadd.s32 $0xFFFFEC00  }
0x63: {  	[tilespmem:s24], [sflag:$0x5] =	stream.indirect.gather [hbm4b:s4+s15], $0x80, s3, s15, $0xb8;
	[tilespmem:$0x1DC00] =	vst v63  }
0x64: {  	s3 =	sadd.s32 $0x1C00, s12  }
0x65: {  	[spmem:s1] =	stream.indirect.scatter.add.f32 [tilespmem:s16], [sflag:$0x6], $0x80, s3, s15, $0xb8;
	[tilespmem:$0x1DC00] =	vst v63  }
0x66: {  	_ =	swait.ge [sflag:s13], $0x1400  }
0x67: {  	[sflag:s13] =	ssyncset.done $0x0  }
0x68: {  	[sflag:s13] =	ssyncadd.s32 $0xFFFFEC00  }
0x69: {  	_ =	swait.ge [sflag:s25], $0x1400  }
0x6a: {  	[sflag:s25] =	ssyncset.done $0x0  }
0x6b: {  	s3 =	sadd.s32 $0x280, s12;
	[sflag:s25] =	ssyncadd.s32 $0xFFFFEC00  }
0x6c: {  	[tilespmem:s16], [sflag:$0x1] =	stream.indirect.gather [hbm4b:s4+s15], $0x80, s3, s15, $0xb8;
	[tilespmem:$0x1DC00] =	vst v63  }
0x6d: {  	s3 =	sadd.s32 $0x1C80, s12  }
0x6e: {  	[spmem:s1] =	stream.indirect.scatter.add.f32 [tilespmem:s18], [sflag:$0x6], $0x80, s3, s15, $0xb8;
	[tilespmem:$0x1DC00] =	vst v63  }
0x6f: {  	_ =	swait.ge [sflag:s13], $0x1400  }
0x70: {  	[sflag:s13] =	ssyncset.done $0x0  }
0x71: {  	[sflag:s13] =	ssyncadd.s32 $0xFFFFEC00  }
0x72: {  	_ =	swait.ge [sflag:s26], $0x1400  }
0x73: {  	[sflag:s26] =	ssyncset.done $0x0  }
0x74: {  	s3 =	sadd.s32 $0x300, s12;
	[sflag:s26] =	ssyncadd.s32 $0xFFFFEC00  }
0x75: {  	[tilespmem:s18], [sflag:$0x2] =	stream.indirect.gather [hbm4b:s4+s15], $0x80, s3, s15, $0xb8;
	[tilespmem:$0x1DC00] =	vst v63  }
0x76: {  	s3 =	sadd.s32 $0x1D00, s12  }
0x77: {  	[spmem:s1] =	stream.indirect.scatter.add.f32 [tilespmem:s20], [sflag:$0x6], $0x80, s3, s15, $0xb8;
	[tilespmem:$0x1DC00] =	vst v63  }
0x78: {  	_ =	swait.ge [sflag:s13], $0x1400  }
0x79: {  	[sflag:s13] =	ssyncset.done $0x0  }
0x7a: {  	[sflag:s13] =	ssyncadd.s32 $0xFFFFEC00  }
0x7b: {  	_ =	swait.ge [sflag:s28], $0x1400  }
0x7c: {  	[sflag:s28] =	ssyncset.done $0x0  }
0x7d: {  	s3 =	sadd.s32 $0x380, s12;
	[sflag:s28] =	ssyncadd.s32 $0xFFFFEC00  }
0x7e: {  	[tilespmem:s20], [sflag:$0x3] =	stream.indirect.gather [hbm4b:s4+s15], $0x80, s3, s15, $0xb8;
	[tilespmem:$0x1DC00] =	vst v63  }
0x7f: {  	s3 =	sadd.s32 $0x1D80, s12  }
0x80: {  	[spmem:s1] =	stream.indirect.scatter.add.f32 [tilespmem:s22], [sflag:$0x6], $0x80, s3, s15, $0xb8;
	[tilespmem:$0x1DC00] =	vst v63  }
0x81: {  	_ =	swait.ge [sflag:s13], $0x1400  }
0x82: {  	[sflag:s13] =	ssyncset.done $0x0  }
0x83: {  	[sflag:s13] =	ssyncadd.s32 $0xFFFFEC00  }
0x84: {  	_ =	swait.ge [sflag:s29], $0x1400  }
0x85: {  	[sflag:s29] =	ssyncset.done $0x0  }
0x86: {  	s3 =	sadd.s32 $0x400, s12;
	[sflag:s29] =	ssyncadd.s32 $0xFFFFEC00  }
0x87: {  	[tilespmem:s22], [sflag:$0x4] =	stream.indirect.gather [hbm4b:s4+s15], $0x80, s3, s15, $0xb8;
	[tilespmem:$0x1DC00] =	vst v63  }
.Ltmp0:
0x88: {  	_ = 	snop;
	(pc) =	sbr.rel @p0 .LBB2_3-.Ltmp0, $4  }
0x89: {  	s3 =	sadd.s32 $0x1E00, s12  }
0x8a: {  	[spmem:s1] =	stream.indirect.scatter.add.f32 [tilespmem:s24], [sflag:$0x6], $0x80, s3, s15, $0xb8;
	[tilespmem:$0x1DC00] =	vst v63  }
0x8b: {  	_ =	swait.ge [sflag:s13], $0x1400  }
0x8c: {  	[sflag:s13] =	ssyncset.done $0x0  }
0x8d: {  	[sflag:s13] =	ssyncadd.s32 $0xFFFFEC00  }
0x8e: {  	_ =	swait.ge [sflag:s23], $0x1400  }
0x8f: {  	[sflag:s23] =	ssyncset.done $0x0  }
0x90: {  	[sflag:s23] =	ssyncadd.s32 $0xFFFFEC00  }
0x91: {  	[tilespmem:s24], [sflag:$0x5] =	stream.indirect.gather [hbm4b:s4+s15], $0x80, s30, s15, $0xb8;
	[tilespmem:$0x1DC00] =	vst v63  }
0x92: {  	_ = 	snop  }
0x93: {  	[spmem:s1] =	stream.indirect.scatter.add.f32 [tilespmem:s16], [sflag:$0x6], $0x80, s31, s15, $0xb8;
	[tilespmem:$0x1DC00] =	vst v63  }
0x94: {  	_ =	swait.ge [sflag:s13], $0x1400  }
0x95: {  	[sflag:s13] =	ssyncset.done $0x0  }
0x96: {  	[sflag:s13] =	ssyncadd.s32 $0xFFFFEC00  }
0x97: {  	_ =	swait.ge [sflag:s25], $0x1400  }
0x98: {  	[sflag:s25] =	ssyncset.done $0x0  }
0x99: {  	[sflag:s25] =	ssyncadd.s32 $0xFFFFEC00  }
0x9a: {  	[spmem:s1] =	stream.indirect.scatter.add.f32 [tilespmem:s18], [sflag:$0x6], $0x80, s0, s15, $0xb8;
	[tilespmem:$0x1DC00] =	vst v63  }
0x9b: {  	_ =	swait.ge [sflag:s13], $0x1400  }
0x9c: {  	[sflag:s13] =	ssyncset.done $0x0  }
0x9d: {  	[sflag:s13] =	ssyncadd.s32 $0xFFFFEC00  }
0x9e: {  	_ =	swait.ge [sflag:s26], $0x1400  }
0x9f: {  	[sflag:s26] =	ssyncset.done $0x0  }
0xa0: {  	[sflag:s26] =	ssyncadd.s32 $0xFFFFEC00  }
0xa1: {  	[spmem:s1] =	stream.indirect.scatter.add.f32 [tilespmem:s20], [sflag:$0x6], $0x80, s2, s15, $0xb8;
	[tilespmem:$0x1DC00] =	vst v63  }
0xa2: {  	_ =	swait.ge [sflag:s13], $0x1400  }
0xa3: {  	[sflag:s13] =	ssyncset.done $0x0  }
0xa4: {  	[sflag:s13] =	ssyncadd.s32 $0xFFFFEC00  }
0xa5: {  	_ =	swait.ge [sflag:s28], $0x1400  }
0xa6: {  	[sflag:s28] =	ssyncset.done $0x0  }
0xa7: {  	[sflag:s28] =	ssyncadd.s32 $0xFFFFEC00  }
0xa8: {  	[spmem:s1] =	stream.indirect.scatter.add.f32 [tilespmem:s22], [sflag:$0x6], $0x80, s8, s15, $0xb8;
	[tilespmem:$0x1DC00] =	vst v63  }
0xa9: {  	_ =	swait.ge [sflag:s13], $0x1400  }
0xaa: {  	[sflag:s13] =	ssyncset.done $0x0  }
0xab: {  	[sflag:s13] =	ssyncadd.s32 $0xFFFFEC00  }
0xac: {  	s10 =	sadd.s32 $0x1, s10;
	_ =	swait.ge [sflag:s29], $0x1400  }
0xad: {  	p0 =	sne.s32 s10, $0x5;
	[sflag:s29] =	ssyncset.done $0x0  }
.Ltmp1:
0xae: {  	[sflag:s29] =	ssyncadd.s32 $0xFFFFEC00;
	(pc) =	sbr.rel @p0 .LBB2_2-.Ltmp1, $4  }
0xaf: {  	[spmem:s1] =	stream.indirect.scatter.add.f32 [tilespmem:s24], [sflag:$0x6], $0x80, s9, s15, $0xb8;
	[tilespmem:$0x1DC00] =	vst v63  }
0xb0: {  	_ =	swait.ge [sflag:s13], $0x1400  }
0xb1: {  	[sflag:s13] =	ssyncset.done $0x0  }
0xb2: {  	[sflag:s13] =	ssyncadd.s32 $0xFFFFEC00  }
0xb3: {  	[bflag:$0x0] =	sbarrier.arrive $0xFFFF  }
0xb4: {  	s3 =	rddreg [dreg:$0x4]  }
0xb5: {  	s10 =	rddreg [dreg:$0x7]  }
0xb6: {  	s11 =	rddreg [dreg:$0x8]  }
0xb7: {  	[hbm:s3], [sflag:s10] =	dma.local [spmem:s11], $0x2800  }
0xb8: {  	_ =	swait.ge [sflag:s13], $0x2800  }
0xb9: {  	s12 =	rddreg [dreg:$0x3]  }
0xba: {  	s3 =	rddreg [dreg:$0x5];
	s12 =	sadd.s32 $0x1, s12  }
0xbb: {  	p0 =	sne.s32 s12, s3  }
.Ltmp2:
0xbc: {  	_ = 	snop;
	(pc) =	sbr.rel @p0 .LBB2_1-.Ltmp2, $3  }
0xbd: {  	_ =	sdelay $0x1  }
0xbe: {  	[sflag:s13] =	ssyncset.done $0x0  }
0xbf: {  	[sflag:s13] =	ssyncadd.s32 $0xFFFFD800  }
0xc0: {  	_ =	sfence.sel $0x180000  }
0xc1: {  	[bflag:$0x0] =	sbarrier.arrive $0xFFFF  }
0xc2: {  	_ =	strace $0x9000004D  }
0xc3: {  	s0 =	stileid.u32;
	[bflag:$0x2] =	sbarrier.arrive $0xFFFF  }
0xc4: {  	p0 =	sne.s32 s0, $0x0;
	s0 =	rddreg [dreg:$0x2]  }
0xc5: {  	s0 =	sadd.s32 @!p0 $0x100000, s0  }
0xc6: {  	[sflag:s0] =	ssyncadd.tile.s32 @!p0 $0x1;
	_ =	shalt  }
.Lfunc_end2:
_tile_overlayer_lowered:
.L_overlay_start_2:
0xc7: {  	(tag) =	ssettag $0x2  }
0xc8: {  	s0 =	rddreg [dreg:$0x0];
	s2 =	stileid.u32  }
0xc9: {  	s1 =	rddreg [dreg:$0x1];
	p0 =	sne.s32 s2, $0x0  }
0xca: {  	s3 =	rddreg [dreg:$0x2];
	[bflag:$0x3] =	sbarrier.arrive $0xFFFF;
	s2 =	simm.s32 @!p0 $0x1C06  }
0xcb: {  	[timem:s3], [sflag:s2] =	dma.local @!p0 [hbm:s0], s1  }
0xcc: {  	s0 =	simm.s32 @!p0 $0x6  }
0xcd: {  	_ =	swait.ge @!p0 [sflag:s0], s1  }
0xce: {  	s1 =	ssub.s32 @!p0 $0x0, s1;
	[sflag:s0] =	ssyncset.done @!p0 $0x0  }
0xcf: {  	[sflag:s0] =	ssyncadd.s32 @!p0 s1  }
0xd0: {  	[bflag:$0x3] =	sbarrier.arrive $0xFFFF  }
0xd1: {  	_ =	shalt  }

// kernel: kernel.18.cloned.1.call-start
scs
__scs_entry_jumppad:
0x0: {  	(pc) =	sbr.rel $0x88, $3  }
0x1: {  	(tag) =	ssettag $0x0;
	lr =	simm.s32 $0x1  }
0x2: {  	[smem:$0x3F99] =	sst lr;
	_ =	strace $0xD0000000  }
0x3: {  	_ = 	snop  }
0x4: {  	_ = 	snop  }
0x5: {  	_ = 	snop  }
0x6: {  	_ = 	snop  }
0x7: {  	_ = 	snop  }
__scs_overlays_trampoline_lowered:
0x8: {  	[smem:$0x3FA8] =	sst s0  }
0x9: {  	[smem:$0x3FA9] =	sst s1  }
0xa: {  	[smem:$0x3FAA] =	sst s2  }
0xb: {  	[smem:$0x3FAB] =	sst s3  }
0xc: {  	[smem:$0x3FAC] =	sst s4  }
0xd: {  	[smem:$0x3FAD] =	sst s5  }
0xe: {  	[smem:$0x3FAE] =	sst s6  }
0xf: {  	[smem:$0x3FAF] =	sst s7  }
0x10: {  	[smem:$0x3FB0] =	sst s8  }
0x11: {  	[smem:$0x3FB1] =	sst s9;
	s0 =	simm.s32 @!p0 $0x0  }
0x12: {  	s1 =	sld [smem:$0x3F97];
	s0 =	simm.s32 @p0 $0x1  }
0x13: {  	[smem:$0x3FB2] =	sst s0;
	s0 =	simm.s32 @!p1 $0x0  }
0x14: {  	s2 =	sld [smem:$0x3F96];
	s0 =	simm.s32 @p1 $0x1  }
0x15: {  	[smem:$0x3FB3] =	sst s0;
	s0 =	simm.s32 @!p2 $0x0  }
0x16: {  	s3 =	sld [smem:$0x3FDB];
	s0 =	simm.s32 @p2 $0x1  }
0x17: {  	s4 =	simm.s32 $0x1BF5;
	[smem:$0x3FB5] =	sst s0  }
0x18: {  	s0 =	sld [smem:$0x3F98];
	_ =	swait.ge [sflag:s4], $0x0  }
0x19: {  	s7 =	sld [smem:$0x3F99]  }
0x1a: {  	s8 =	sadd.s32 $0xFFFFE003, lr  }
0x1b: {  	s9 =	sadd.s32 $0xFFFFFEF7, lr;
	s5 =	simm.s32 $0xFFFFFFFF;
	p2 =	slt.u32 s8, $0xFFFFF086  }
0x1c: {  	p1 =	slt.u32 s9, $0xF7A;
	s5 =	simm.s32 @!p2 $0x0  }
0x1d: {  	s5 =	simm.s32 @p1 $0x1;
	p0 =	seq.s32 s7, s2  }
0x1e: {  	s7 =	smul.u32 @!p0 $0xF7A, s2;
	p2 =	seq.s32 @!p0 s5, $0x0  }
0x1f: {  	s9 =	smul.u32 $0xF7A, s1;
	s8 =	simm.s32 @!p0 $0x1BF5;
	p2 =	por !p2, p0  }
0x20: {  	[sflag:s8] =	ssyncset.s32 @!p0 $0xFFFFF086;
	s6 =	sadd.s32 @!p0 s3, s7;
	s7 =	simm.s32 @!p0 $0x108  }
0x21: {  	s3 =	sadd.s32 s3, s9;
	s6 =	sadd.s32 @!p0 $0x88, s6;
	s7 =	simm.s32 @p2 $0x1082  }
0x22: {  	[simem:s7], [sflag:s8] =	dma.local @!p0 [hbm:s6], $0xF7A  }
0x23: {  	s9 =	sor.u32 $0xD0000000, s2;
	s6 =	simm.s32 $0x108;
	_ =	swait.ge @!p0 [sflag:s8], $0x0  }
0x24: {  	s3 =	sadd.s32 $0x88, s3;
	s6 =	simm.s32 @!p1 $0x1082;
	[sflag:s4] =	ssyncset.s32 $0xFFFFF086  }
0x25: {  	[simem:s6], [sflag:s4] =	dma.local [hbm:s3], $0xF7A  }
0x26: {  	[smem:$0x3F99] =	sst s1;
	(tag) =	ssettag s2;
	_ =	strace s9  }
0x27: {  	s1 =	sld [smem:$0x3FA9]  }
0x28: {  	s2 =	sld [smem:$0x3FAA]  }
0x29: {  	s4 =	sld [smem:$0x3FAC]  }
0x2a: {  	p0 =	seq.s32 s5, $0x0;
	s5 =	sld [smem:$0x3FAD]  }
0x2b: {  	s6 =	sld [smem:$0x3FAE]  }
0x2c: {  	s7 =	sld [smem:$0x3FAF]  }
0x2d: {  	s3 =	simm.s32 $0x108;
	s8 =	sld [smem:$0x3FB0]  }
0x2e: {  	s3 =	simm.s32 @!p0 $0x1082;
	s9 =	sld [smem:$0x3FB1]  }
0x2f: {  	lr =	sadd.s32 s0, s3;
	s0 =	sld [smem:$0x3FA8]  }
0x30: {  	s3 =	sld [smem:$0x3FAB]  }
0x31: {  	[smem:$0x3FB4] =	sst s10  }
0x32: {  	s10 =	sld [smem:$0x3FB2];
	_ =	sdelay $0x3  }
0x33: {  	p0 =	seq.s32 s10, $0x1;
	s10 =	sld [smem:$0x3FB4];
	_ =	sdelay $0x3  }
0x34: {  	[smem:$0x3FB4] =	sst s10  }
0x35: {  	s10 =	sld [smem:$0x3FB3];
	_ =	sdelay $0x3  }
0x36: {  	p1 =	seq.s32 s10, $0x1;
	s10 =	sld [smem:$0x3FB4];
	_ =	sdelay $0x3  }
0x37: {  	[smem:$0x3FB4] =	sst s10  }
0x38: {  	s10 =	sld [smem:$0x3FB5]  }
0x39: {  	_ = 	snop;
	(pc) =	sbr.ind lr, $3  }
0x3a: {  	_ = 	snop  }
0x3b: {  	_ = 	snop  }
0x3c: {  	p2 =	seq.s32 s10, $0x1;
	s10 =	sld [smem:$0x3FB4]  }
0x3d: {  	_ =	shalt  }
0x3e: {  	_ =	shalt  }
0x3f: {  	_ =	shalt  }
0x40: {  	_ =	shalt  }
0x41: {  	_ =	shalt  }
0x42: {  	_ =	shalt  }
0x43: {  	_ =	shalt  }
0x44: {  	_ =	shalt  }
0x45: {  	_ =	shalt  }
0x46: {  	_ =	shalt  }
0x47: {  	_ =	shalt  }
0x48: {  	_ =	shalt  }
0x49: {  	_ =	shalt  }
0x4a: {  	_ =	shalt  }
0x4b: {  	_ =	shalt  }
0x4c: {  	_ =	shalt  }
0x4d: {  	_ =	shalt  }
0x4e: {  	_ =	shalt  }
0x4f: {  	_ =	shalt  }
0x50: {  	_ =	shalt  }
0x51: {  	_ =	shalt  }
0x52: {  	_ =	shalt  }
0x53: {  	_ =	shalt  }
0x54: {  	_ =	shalt  }
0x55: {  	_ =	shalt  }
0x56: {  	_ =	shalt  }
0x57: {  	_ =	shalt  }
0x58: {  	_ =	shalt  }
0x59: {  	_ =	shalt  }
0x5a: {  	_ =	shalt  }
0x5b: {  	_ =	shalt  }
0x5c: {  	_ =	shalt  }
0x5d: {  	_ =	shalt  }
0x5e: {  	_ =	shalt  }
0x5f: {  	_ =	shalt  }
0x60: {  	_ =	shalt  }
0x61: {  	_ =	shalt  }
0x62: {  	_ =	shalt  }
0x63: {  	_ =	shalt  }
0x64: {  	_ =	shalt  }
0x65: {  	_ =	shalt  }
0x66: {  	_ =	shalt  }
0x67: {  	_ =	shalt  }
0x68: {  	_ =	shalt  }
0x69: {  	_ =	shalt  }
0x6a: {  	_ =	shalt  }
0x6b: {  	_ =	shalt  }
0x6c: {  	_ =	shalt  }
0x6d: {  	_ =	shalt  }
0x6e: {  	_ =	shalt  }
0x6f: {  	_ =	shalt  }
0x70: {  	_ =	shalt  }
0x71: {  	_ =	shalt  }
0x72: {  	_ =	shalt  }
0x73: {  	_ =	shalt  }
0x74: {  	_ =	shalt  }
0x75: {  	_ =	shalt  }
0x76: {  	_ =	shalt  }
0x77: {  	_ =	shalt  }
0x78: {  	_ =	shalt  }
0x79: {  	_ =	shalt  }
0x7a: {  	_ =	shalt  }
0x7b: {  	_ =	shalt  }
0x7c: {  	_ =	shalt  }
0x7d: {  	_ =	shalt  }
0x7e: {  	_ =	shalt  }
0x7f: {  	_ =	shalt  }
0x80: {  	_ =	shalt  }
0x81: {  	_ =	shalt  }
0x82: {  	_ =	shalt  }
0x83: {  	_ =	shalt  }
0x84: {  	_ =	shalt  }
0x85: {  	_ =	shalt  }
0x86: {  	_ =	shalt  }
0x87: {  	_ =	shalt  }
.Lfunc_end0:
.L_simem_size_0:
called_computation.3_lowered:
.L_overlay_start_0:
0x88: {  	s2 =	sld [smem:$0x3FD9]  }
0x89: {  	s3 =	sld [smem:$0x3FFE];
	_ =	sdelay $0x1  }
0x8a: {  	s1 =	srdreg.scid  }
0x8b: {  	s0 =	sand.u32 $0x1, s1  }
0x8c: {  	s17 =	sshll.u32 s0, $0xA;
	s2 =	sadd.s32 s3, s2  }
0x8d: {  	s2 =	sadd.s32 s2, s17  }
0x8e: {  	[smem:$0x3FC0] =	sst s2  }
0x8f: {  	_ = 	snop  }
0x90: {  	s2 =	sld [smem:$0x3FD0];
	(tm) =	ssettm $0x1  }
0x91: {  	s18 =	sld [smem:$0x3FFB];
	_ =	sdelay $0x3  }
0x92: {  	_ =	strace s18  }
0x93: {  	s3 =	sld [smem:$0x3FFC];
	_ =	sdelay $0x3  }
0x94: {  	_ =	strace s3  }
0x95: {  	s3 =	sld [smem:$0x3FFD];
	_ =	sdelay $0x3  }
0x96: {  	_ =	strace s3  }
0x97: {  	_ =	strace $0x8FFFFFFF  }
0x98: {  	s19 =	sld [smem:$0x3FDB];
	_ =	sdelay $0x1  }
0x99: {  	s4 =	simm.s32 $_scs_section_size  }
0x9a: {  	s5 =	simm.s32 $_size__tile_overlayer_lowered;
	s6 =	simm.s32 $_tile_overlayer_lowered  }
0x9b: {  	s22 =	simm.s32 $0x1BFF;
	s21 =	sshll.u32 s6, $0x1;
	s3 =	sadd.s32 s4, s19  }
0x9c: {  	s7 =	simm.s32 $0x0;
	s20 =	sshll.u32 s5, $0x1;
	s5 =	sadd.s32 s21, s3  }
0x9d: {  	[timem:s7], [sflag:s22] =	dma.local [hbm:s5], s20  }
0x9e: {  	_ =	swait.ge [sflag:s22], s20  }
0x9f: {  	s4 =	ssub.s32 $0x0, s20;
	[sflag:s22] =	ssyncset.done $0x0  }
0xa0: {  	[sflag:s22] =	ssyncadd.s32 s4;
	_ =	sdelay $0x1  }
0xa1: {  	s23 =	simm.s32 $0x1B8B  }
0xa2: {  	_ =	swait.ge [sflag:s23], $0x1  }
0xa3: {  	[sflag:s23] =	ssyncset.done $0x0  }
0xa4: {  	s25 =	simm.s32 $0x1B8E;
	s24 =	sld [smem:$0x3FFE];
	[sflag:s23] =	ssyncadd.s32 $0xFFFFFFFF  }
0xa5: {  	s26 =	simm.s32 $execute0_lowered;
	[smem:$0x3FD2] =	sst s25  }
0xa6: {  	s5 =	sshll.u32 s26, $0x1;
	_ =	strace $0x8000004F;
	[dreg:$0x1] =	wrdreg $0xFFFFFFFF  }
0xa7: {  	s28 =	simm.s32 $_size_execute0_lowered;
	s3 =	sadd.s32 s3, s5;
	[dreg:$0x0] =	wrdreg $0x0  }
0xa8: {  	s5 =	sshll.u32 s28, $0x1;
	[dreg:$0x2] =	wrdreg s3  }
0xa9: {  	[dreg:$0x3] =	wrdreg s5  }
0xaa: {  	[dreg:$0x4] =	wrdreg $0xC0  }
0xab: {  	_ =	task [dreg:s7], $0x5FFFF  }
0xac: {  	[dreg:$0x1] =	wrdreg $0xFFFFFFFF  }
0xad: {  	[dreg:$0x0] =	wrdreg $0x60  }
0xae: {  	[dreg:$0x2] =	wrdreg s24  }
0xaf: {  	[dreg:$0x3] =	wrdreg s2  }
0xb0: {  	[dreg:$0x4] =	wrdreg $0x9  }
0xb1: {  	_ =	task.clear_ibuf [dreg:s7], $0x5FFFF;
	_ =	strace $0x9000004F  }
0xb2: {  	s29 =	simm.s32 $0x9;
	_ =	strace $0x80000051  }
0xb3: {  	_ =	swait.ge [sflag:s29], $0x1  }
0xb4: {  	[sflag:s29] =	ssyncadd.s32 $0xFFFFFFFF  }
0xb5: {  	_ =	strace $0x90000051  }
0xb6: {  	_ =	sfence  }
0xb7: {  	s30 =	sld [smem:$0x0];
	_ =	sdelay $0x2  }
0xb8: {  	s31 =	sshll.u32 s1, $0xD;
	s1 =	sshrl.u32 s1, $0x2  }
0xb9: {  	s3 =	sand.u32 $0x4000, s31;
	s1 =	sadd.s32 s1, s30  }
0xba: {  	s0 =	sor.u32 s3, s0;
	s1 =	sshll.u32 s1, $0x11  }
0xbb: {  	s0 =	sor.u32 s1, s0  }
0xbc: {  	s0 =	sadd.s32 $0x8F2B, s0  }
0xbd: {  	[sflag:s0] =	ssyncadd.remote.s32 $0x1  }
0xbe: {  	_ =	sfence.sel $0xFFFF  }
0xbf: {  	[dreg:$0x0] =	wrdreg $0xFFFFFFFF;
	(pc) =	sbr.abs _section_cstart, $3  }
0xc0: {  	[dreg:$0x1] =	wrdreg $0xFFFFFFFF  }
0xc1: {  	_ =	task.clear_ibuf [dreg:s7], $0x2FFFF;
	_ =	strace $0x9FFFFFFF  }
0xc2: {  	(tm) =	ssettm $0x7FFFFFFF  }
0xc3: {  	_ =	shalt  }
tec
execute0_lowered:
.L_overlay_start_1:
0x0: {  	(tag) =	ssettag $0x1  }
0x1: {  	s4 =	rddreg [dreg:$0x0];
	s1 =	srdreg.scid  }
0x2: {  	s0 =	stileid.u32;
	s7 =	rddreg [dreg:$0x1]  }
0x3: {  	s2 =	simm.s32 $0x0;
	s10 =	simm.s32 $0x2800;
	s11 =	simm.s32 $0x5000  }
0x4: {  	s12 =	simm.s32 $0x7780;
	s3 =	sand.u32 $0x1, s1;
	s5 =	sshll.u32 s0, $0x1  }
0x5: {  	s13 =	simm.s32 $0x9F00;
	s14 =	simm.s32 $0x0;
	s5 =	sor.u32 s3, s5  }
0x6: {  	[smem:$0x7FF] =	sst s2;
	s31 =	ssub.s32 $0x2, s3;
	s8 =	smul.u32 $0x4E2, s5  }
0x7: {  	s1 =	rddreg [dreg:$0x2];
	_ =	strace $0x80000050;
	s9 =	sshrl.u32 s31, $0x1  }
0x8: {  	s3 =	sadd.s32 $0x16000, s4;
	s9 =	ssub.s32 s31, s9;
	s6 =	sadd.s32 s8, s4  }
0x9: {  	s4 =	sadd.s32 $0x16600, s4;
	s7 =	sadd.s32 s7, s8;
	s8 =	smax.u32 s9, $0x1  }
0xa: {  	s9 =	simm.s32 $0x1;
	s5 =	sadd.s32 $0xC200, s6;
	s6 =	sadd.s32 $0x2400, s6  }
.LBB2_1:
0xb: {  	[tilespmem:s2], [sflag:$0x1] =	stream.linear.gather [hbm4b:s3+s2], $0x2800, $0x38;
	[tilespmem:$0xC680] =	vst v63  }
0xc: {  	_ =	swait.ge [sflag:s9], $0x2800  }
0xd: {  	[sflag:s9] =	ssyncset.done $0x0  }
0xe: {  	[sflag:s9] =	ssyncadd.s32 $0xFFFFD800  }
0xf: {  	[tilespmem:s10], [sflag:$0x1] =	stream.linear.gather [hbm4b:s4+s2], $0x2800, $0x38;
	[tilespmem:$0xC680] =	vst v63  }
0x10: {  	_ =	swait.ge [sflag:s9], $0x2800  }
0x11: {  	[sflag:s9] =	ssyncset.done $0x0  }
0x12: {  	[sflag:s9] =	ssyncadd.s32 $0xFFFFD800  }
0x13: {  	[tilespmem:s11], [sflag:$0x1] =	stream.linear.gather [hbm4b:s5+s2], $0x2710, $0x38;
	[tilespmem:$0xC680] =	vst v63  }
0x14: {  	_ =	swait.ge [sflag:s9], $0x2710  }
0x15: {  	[sflag:s9] =	ssyncset.done $0x0  }
0x16: {  	[sflag:s9] =	ssyncadd.s32 $0xFFFFD8F0  }
0x17: {  	[tilespmem:s12], [sflag:$0x1] =	stream.linear.gather [hbm4b:s6+s2], $0x2710, $0x38;
	[tilespmem:$0xC680] =	vst v63  }
0x18: {  	_ =	swait.ge [sflag:s9], $0x2710  }
0x19: {  	[sflag:s9] =	ssyncset.done $0x0  }
0x1a: {  	s15 =	simm.s32 $0x0;
	[sflag:s9] =	ssyncadd.s32 $0xFFFFD8F0  }
0x1b: {  	v0 =	vld [tilespmem:s15+$0x7780]  }
0x1c: {  	v1 =	vld [tilespmem:s15+$0x5000];
	_ =	sdelay $0x6  }
0x1d: {  	v0 =	vld.idx.msk [tilespmem:v0+s10+$0x0], $0xffff  }
0x1e: {  	s16 =	simm.s32 $0x10;
	v2 =	vld.idx.msk [tilespmem:v1+s2+$0x0], $0xffff  }
0x1f: {  	s17 =	simm.s32 $0x80;
	v1 =	vld [tilespmem:s16+$0x7780]  }
.LBB2_2:
0x20: {  	p0 =	sne.s32 s17, $0x9C00;
	v3 =	vld [tilespmem:s16+$0x5000];
	_ =	sdelay $0x3  }
0x21: {  	v0 =	vadd.f32 v0, v2  }
.Ltmp0:
0x22: {  	(pc) =	sbr.rel @p0 .LBB2_2-.Ltmp0, $4  }
0x23: {  	[tilespmem:s15+$0x9F00] =	vst v0;
	s15 =	smov.u32 s16  }
0x24: {  	v0 =	vld.idx.msk [tilespmem:v1+s10+$0x0], $0xffff  }
0x25: {  	s16 =	sshra.s32 s17, $0x2;
	v2 =	vld.idx.msk [tilespmem:v3+s2+$0x0], $0xffff  }
0x26: {  	s17 =	sadd.s32 $0x40, s17;
	v1 =	vld [tilespmem:s16+$0x7780]  }
0x27: {  	_ = 	snop  }
0x28: {  	v3 =	vld [tilespmem:s16+$0x5000];
	_ =	sdelay $0x3  }
0x29: {  	v0 =	vadd.f32 v0, v2;
	_ =	sdelay $0x1  }
0x2a: {  	[tilespmem:s15+$0x9F00] =	vst v0  }
0x2b: {  	v0 =	vld.idx.msk [tilespmem:v1+s10+$0x0], $0xffff  }
0x2c: {  	v63 =	vld.idx.msk [tilespmem:v3+s2+$0x0], $0xffff;
	_ =	sdelay $0x4  }
0x2d: {  	s14 =	sadd.s32 $0x1, s14;
	v0 =	vadd.f32 v0, v63  }
0x2e: {  	p0 =	sne.s32 s14, s8  }
.Ltmp1:
0x2f: {  	[tilespmem:s16+$0x9F00] =	vst v0;
	(pc) =	sbr.rel @p0 .LBB2_1-.Ltmp1, $4  }
0x30: {  	[hbm4b:s7+s2] =	stream.linear.scatter [tilespmem:s13], [sflag:$0x1], $0x2710, $0x38;
	[tilespmem:$0xC680] =	vst v63  }
0x31: {  	_ =	swait.ge [sflag:s9], $0x2710  }
0x32: {  	[sflag:s9] =	ssyncset.done $0x0  }
0x33: {  	[sflag:s9] =	ssyncadd.s32 $0xFFFFD8F0  }
0x34: {  	_ =	sfence.sel $0x180000  }
0x35: {  	[bflag:$0x0] =	sbarrier.arrive $0xFFFF  }
0x36: {  	p0 =	sne.s32 s0, $0x0;
	_ =	strace $0x90000050  }
0x37: {  	s0 =	sadd.s32 @!p0 $0x100000, s1;
	[bflag:$0x2] =	sbarrier.arrive $0xFFFF  }
0x38: {  	[sflag:s0] =	ssyncadd.tile.s32 @!p0 $0x1;
	_ =	shalt  }
.Lfunc_end2:
_tile_overlayer_lowered:
.L_overlay_start_2:
0x39: {  	(tag) =	ssettag $0x2  }
0x3a: {  	s0 =	rddreg [dreg:$0x0];
	s2 =	stileid.u32  }
0x3b: {  	s1 =	rddreg [dreg:$0x1];
	p0 =	sne.s32 s2, $0x0  }
0x3c: {  	s3 =	rddreg [dreg:$0x2];
	[bflag:$0x3] =	sbarrier.arrive $0xFFFF;
	s2 =	simm.s32 @!p0 $0x1C01  }
0x3d: {  	[timem:s3], [sflag:s2] =	dma.local @!p0 [hbm:s0], s1  }
0x3e: {  	s0 =	simm.s32 @!p0 $0x1  }
0x3f: {  	_ =	swait.ge @!p0 [sflag:s0], s1  }
0x40: {  	s1 =	ssub.s32 @!p0 $0x0, s1;
	[sflag:s0] =	ssyncset.done @!p0 $0x0  }
0x41: {  	[sflag:s0] =	ssyncadd.s32 @!p0 s1  }
0x42: {  	[bflag:$0x3] =	sbarrier.arrive $0xFFFF  }
0x43: {  	_ =	shalt  }

// kernel: kernel.9.cloned.1.call-start
scs
__scs_entry_jumppad:
0x0: {  	(pc) =	sbr.rel $0x88, $3  }
0x1: {  	(tag) =	ssettag $0x0;
	lr =	simm.s32 $0x1  }
0x2: {  	[smem:$0x3F99] =	sst lr;
	_ =	strace $0xD0000000  }
0x3: {  	_ = 	snop  }
0x4: {  	_ = 	snop  }
0x5: {  	_ = 	snop  }
0x6: {  	_ = 	snop  }
0x7: {  	_ = 	snop  }
__scs_overlays_trampoline_lowered:
0x8: {  	[smem:$0x3FA8] =	sst s0  }
0x9: {  	[smem:$0x3FA9] =	sst s1  }
0xa: {  	[smem:$0x3FAA] =	sst s2  }
0xb: {  	[smem:$0x3FAB] =	sst s3  }
0xc: {  	[smem:$0x3FAC] =	sst s4  }
0xd: {  	[smem:$0x3FAD] =	sst s5  }
0xe: {  	[smem:$0x3FAE] =	sst s6  }
0xf: {  	[smem:$0x3FAF] =	sst s7  }
0x10: {  	[smem:$0x3FB0] =	sst s8  }
0x11: {  	[smem:$0x3FB1] =	sst s9;
	s0 =	simm.s32 @!p0 $0x0  }
0x12: {  	s1 =	sld [smem:$0x3F97];
	s0 =	simm.s32 @p0 $0x1  }
0x13: {  	[smem:$0x3FB2] =	sst s0;
	s0 =	simm.s32 @!p1 $0x0  }
0x14: {  	s2 =	sld [smem:$0x3F96];
	s0 =	simm.s32 @p1 $0x1  }
0x15: {  	[smem:$0x3FB3] =	sst s0;
	s0 =	simm.s32 @!p2 $0x0  }
0x16: {  	s3 =	sld [smem:$0x3FDB];
	s0 =	simm.s32 @p2 $0x1  }
0x17: {  	s4 =	simm.s32 $0x1BF5;
	[smem:$0x3FB5] =	sst s0  }
0x18: {  	s0 =	sld [smem:$0x3F98];
	_ =	swait.ge [sflag:s4], $0x0  }
0x19: {  	s7 =	sld [smem:$0x3F99]  }
0x1a: {  	s8 =	sadd.s32 $0xFFFFE003, lr  }
0x1b: {  	s9 =	sadd.s32 $0xFFFFFEF7, lr;
	s5 =	simm.s32 $0xFFFFFFFF;
	p2 =	slt.u32 s8, $0xFFFFF086  }
0x1c: {  	p1 =	slt.u32 s9, $0xF7A;
	s5 =	simm.s32 @!p2 $0x0  }
0x1d: {  	s5 =	simm.s32 @p1 $0x1;
	p0 =	seq.s32 s7, s2  }
0x1e: {  	s7 =	smul.u32 @!p0 $0xF7A, s2;
	p2 =	seq.s32 @!p0 s5, $0x0  }
0x1f: {  	s9 =	smul.u32 $0xF7A, s1;
	s8 =	simm.s32 @!p0 $0x1BF5;
	p2 =	por !p2, p0  }
0x20: {  	[sflag:s8] =	ssyncset.s32 @!p0 $0xFFFFF086;
	s6 =	sadd.s32 @!p0 s3, s7;
	s7 =	simm.s32 @!p0 $0x108  }
0x21: {  	s3 =	sadd.s32 s3, s9;
	s6 =	sadd.s32 @!p0 $0x88, s6;
	s7 =	simm.s32 @p2 $0x1082  }
0x22: {  	[simem:s7], [sflag:s8] =	dma.local @!p0 [hbm:s6], $0xF7A  }
0x23: {  	s9 =	sor.u32 $0xD0000000, s2;
	s6 =	simm.s32 $0x108;
	_ =	swait.ge @!p0 [sflag:s8], $0x0  }
0x24: {  	s3 =	sadd.s32 $0x88, s3;
	s6 =	simm.s32 @!p1 $0x1082;
	[sflag:s4] =	ssyncset.s32 $0xFFFFF086  }
0x25: {  	[simem:s6], [sflag:s4] =	dma.local [hbm:s3], $0xF7A  }
0x26: {  	[smem:$0x3F99] =	sst s1;
	(tag) =	ssettag s2;
	_ =	strace s9  }
0x27: {  	s1 =	sld [smem:$0x3FA9]  }
0x28: {  	s2 =	sld [smem:$0x3FAA]  }
0x29: {  	s4 =	sld [smem:$0x3FAC]  }
0x2a: {  	p0 =	seq.s32 s5, $0x0;
	s5 =	sld [smem:$0x3FAD]  }
0x2b: {  	s6 =	sld [smem:$0x3FAE]  }
0x2c: {  	s7 =	sld [smem:$0x3FAF]  }
0x2d: {  	s3 =	simm.s32 $0x108;
	s8 =	sld [smem:$0x3FB0]  }
0x2e: {  	s3 =	simm.s32 @!p0 $0x1082;
	s9 =	sld [smem:$0x3FB1]  }
0x2f: {  	lr =	sadd.s32 s0, s3;
	s0 =	sld [smem:$0x3FA8]  }
0x30: {  	s3 =	sld [smem:$0x3FAB]  }
0x31: {  	[smem:$0x3FB4] =	sst s10  }
0x32: {  	s10 =	sld [smem:$0x3FB2];
	_ =	sdelay $0x3  }
0x33: {  	p0 =	seq.s32 s10, $0x1;
	s10 =	sld [smem:$0x3FB4];
	_ =	sdelay $0x3  }
0x34: {  	[smem:$0x3FB4] =	sst s10  }
0x35: {  	s10 =	sld [smem:$0x3FB3];
	_ =	sdelay $0x3  }
0x36: {  	p1 =	seq.s32 s10, $0x1;
	s10 =	sld [smem:$0x3FB4];
	_ =	sdelay $0x3  }
0x37: {  	[smem:$0x3FB4] =	sst s10  }
0x38: {  	s10 =	sld [smem:$0x3FB5]  }
0x39: {  	_ = 	snop;
	(pc) =	sbr.ind lr, $3  }
0x3a: {  	_ = 	snop  }
0x3b: {  	_ = 	snop  }
0x3c: {  	p2 =	seq.s32 s10, $0x1;
	s10 =	sld [smem:$0x3FB4]  }
0x3d: {  	_ =	shalt  }
0x3e: {  	_ =	shalt  }
0x3f: {  	_ =	shalt  }
0x40: {  	_ =	shalt  }
0x41: {  	_ =	shalt  }
0x42: {  	_ =	shalt  }
0x43: {  	_ =	shalt  }
0x44: {  	_ =	shalt  }
0x45: {  	_ =	shalt  }
0x46: {  	_ =	shalt  }
0x47: {  	_ =	shalt  }
0x48: {  	_ =	shalt  }
0x49: {  	_ =	shalt  }
0x4a: {  	_ =	shalt  }
0x4b: {  	_ =	shalt  }
0x4c: {  	_ =	shalt  }
0x4d: {  	_ =	shalt  }
0x4e: {  	_ =	shalt  }
0x4f: {  	_ =	shalt  }
0x50: {  	_ =	shalt  }
0x51: {  	_ =	shalt  }
0x52: {  	_ =	shalt  }
0x53: {  	_ =	shalt  }
0x54: {  	_ =	shalt  }
0x55: {  	_ =	shalt  }
0x56: {  	_ =	shalt  }
0x57: {  	_ =	shalt  }
0x58: {  	_ =	shalt  }
0x59: {  	_ =	shalt  }
0x5a: {  	_ =	shalt  }
0x5b: {  	_ =	shalt  }
0x5c: {  	_ =	shalt  }
0x5d: {  	_ =	shalt  }
0x5e: {  	_ =	shalt  }
0x5f: {  	_ =	shalt  }
0x60: {  	_ =	shalt  }
0x61: {  	_ =	shalt  }
0x62: {  	_ =	shalt  }
0x63: {  	_ =	shalt  }
0x64: {  	_ =	shalt  }
0x65: {  	_ =	shalt  }
0x66: {  	_ =	shalt  }
0x67: {  	_ =	shalt  }
0x68: {  	_ =	shalt  }
0x69: {  	_ =	shalt  }
0x6a: {  	_ =	shalt  }
0x6b: {  	_ =	shalt  }
0x6c: {  	_ =	shalt  }
0x6d: {  	_ =	shalt  }
0x6e: {  	_ =	shalt  }
0x6f: {  	_ =	shalt  }
0x70: {  	_ =	shalt  }
0x71: {  	_ =	shalt  }
0x72: {  	_ =	shalt  }
0x73: {  	_ =	shalt  }
0x74: {  	_ =	shalt  }
0x75: {  	_ =	shalt  }
0x76: {  	_ =	shalt  }
0x77: {  	_ =	shalt  }
0x78: {  	_ =	shalt  }
0x79: {  	_ =	shalt  }
0x7a: {  	_ =	shalt  }
0x7b: {  	_ =	shalt  }
0x7c: {  	_ =	shalt  }
0x7d: {  	_ =	shalt  }
0x7e: {  	_ =	shalt  }
0x7f: {  	_ =	shalt  }
0x80: {  	_ =	shalt  }
0x81: {  	_ =	shalt  }
0x82: {  	_ =	shalt  }
0x83: {  	_ =	shalt  }
0x84: {  	_ =	shalt  }
0x85: {  	_ =	shalt  }
0x86: {  	_ =	shalt  }
0x87: {  	_ =	shalt  }
.Lfunc_end0:
.L_simem_size_0:
called_computation_lowered:
.L_overlay_start_0:
0x88: {  	s2 =	sld [smem:$0x3FD9]  }
0x89: {  	s3 =	sld [smem:$0x3FFE];
	_ =	sdelay $0x1  }
0x8a: {  	s1 =	srdreg.scid  }
0x8b: {  	s0 =	sand.u32 $0x1, s1  }
0x8c: {  	s16 =	sshll.u32 s0, $0xA;
	s2 =	sadd.s32 s3, s2  }
0x8d: {  	s2 =	sadd.s32 s2, s16  }
0x8e: {  	[smem:$0x3FC0] =	sst s2  }
0x8f: {  	_ = 	snop  }
0x90: {  	(tm) =	ssettm $0x1  }
0x91: {  	s17 =	sld [smem:$0x3FFB];
	_ =	sdelay $0x3  }
0x92: {  	_ =	strace s17  }
0x93: {  	s2 =	sld [smem:$0x3FFC];
	_ =	sdelay $0x3  }
0x94: {  	_ =	strace s2  }
0x95: {  	s2 =	sld [smem:$0x3FFD];
	_ =	sdelay $0x3  }
0x96: {  	_ =	strace s2  }
0x97: {  	_ =	strace $0x8FFFFFFF  }
0x98: {  	s18 =	sld [smem:$0x3FDB];
	_ =	sdelay $0x1  }
0x99: {  	s19 =	simm.s32 $_scs_section_size  }
0x9a: {  	s4 =	simm.s32 $_size__tile_overlayer_lowered;
	s5 =	simm.s32 $_tile_overlayer_lowered  }
0x9b: {  	s22 =	simm.s32 $0x1BFF;
	s21 =	sshll.u32 s5, $0x1;
	s2 =	sadd.s32 s19, s18  }
0x9c: {  	s6 =	simm.s32 $0x0;
	s20 =	sshll.u32 s4, $0x1;
	s4 =	sadd.s32 s21, s2  }
0x9d: {  	[timem:s6], [sflag:s22] =	dma.local [hbm:s4], s20  }
0x9e: {  	_ =	swait.ge [sflag:s22], s20  }
0x9f: {  	s3 =	ssub.s32 $0x0, s20;
	[sflag:s22] =	ssyncset.done $0x0  }
0xa0: {  	[sflag:s22] =	ssyncadd.s32 s3;
	_ =	sdelay $0x1  }
0xa1: {  	s23 =	simm.s32 $0x1B8B  }
0xa2: {  	_ =	swait.ge [sflag:s23], $0x1  }
0xa3: {  	[sflag:s23] =	ssyncset.done $0x0  }
0xa4: {  	s25 =	simm.s32 $0x1B8E;
	s24 =	sld [smem:$0x3FFE];
	[sflag:s23] =	ssyncadd.s32 $0xFFFFFFFF  }
0xa5: {  	s26 =	simm.s32 $execute0_lowered;
	[smem:$0x3FD2] =	sst s25  }
0xa6: {  	s4 =	sshll.u32 s26, $0x1;
	_ =	strace $0x80000046;
	[dreg:$0x1] =	wrdreg $0xFFFFFFFF  }
0xa7: {  	s28 =	simm.s32 $_size_execute0_lowered;
	s2 =	sadd.s32 s2, s4;
	[dreg:$0x0] =	wrdreg $0x0  }
0xa8: {  	s4 =	sshll.u32 s28, $0x1;
	[dreg:$0x2] =	wrdreg s2  }
0xa9: {  	[dreg:$0x3] =	wrdreg s4  }
0xaa: {  	[dreg:$0x4] =	wrdreg $0xC0  }
0xab: {  	_ =	task [dreg:s6], $0x5FFFF  }
0xac: {  	[dreg:$0x1] =	wrdreg $0xFFFFFFFF  }
0xad: {  	[dreg:$0x0] =	wrdreg $0x60  }
0xae: {  	[dreg:$0x2] =	wrdreg s24  }
0xaf: {  	[dreg:$0x3] =	wrdreg $0x9  }
0xb0: {  	_ =	task.clear_ibuf [dreg:s6], $0x4FFFF;
	_ =	strace $0x90000046  }
0xb1: {  	s29 =	simm.s32 $0x9;
	_ =	strace $0x80000048  }
0xb2: {  	_ =	swait.ge [sflag:s29], $0x1  }
0xb3: {  	[sflag:s29] =	ssyncadd.s32 $0xFFFFFFFF  }
0xb4: {  	_ =	strace $0x90000048  }
0xb5: {  	_ =	sfence  }
0xb6: {  	s30 =	sld [smem:$0x0];
	_ =	sdelay $0x2  }
0xb7: {  	s31 =	sshll.u32 s1, $0xD;
	s1 =	sshrl.u32 s1, $0x2  }
0xb8: {  	s3 =	sand.u32 $0x4000, s31;
	s1 =	sadd.s32 s1, s30  }
0xb9: {  	s0 =	sor.u32 s3, s0;
	s1 =	sshll.u32 s1, $0x11  }
0xba: {  	s0 =	sor.u32 s1, s0  }
0xbb: {  	s0 =	sadd.s32 $0x8F2B, s0  }
0xbc: {  	[sflag:s0] =	ssyncadd.remote.s32 $0x1  }
0xbd: {  	_ =	sfence.sel $0xFFFF  }
0xbe: {  	[dreg:$0x0] =	wrdreg $0xFFFFFFFF;
	(pc) =	sbr.abs _section_cstart, $3  }
0xbf: {  	[dreg:$0x1] =	wrdreg $0xFFFFFFFF  }
0xc0: {  	_ =	task.clear_ibuf [dreg:s6], $0x2FFFF;
	_ =	strace $0x9FFFFFFF  }
0xc1: {  	(tm) =	ssettm $0x7FFFFFFF  }
tec
execute0_lowered:
.L_overlay_start_1:
0x0: {  	(tag) =	ssettag $0x1  }
0x1: {  	s1 =	srdreg.scid;
	s0 =	stileid.u32  }
0x2: {  	s3 =	rddreg [dreg:$0x0];
	s8 =	simm.s32 $0x80;
	s9 =	simm.s32 $0x400  }
0x3: {  	s4 =	sand.u32 $0x1, s1;
	s2 =	sshll.u32 s0, $0x1;
	s1 =	rddreg [dreg:$0x1]  }
0x4: {  	s6 =	sshrl.u32 s0, $0x2;
	s5 =	sor.u32 s4, s2;
	s2 =	simm.s32 $0x0  }
0x5: {  	s6 =	smul.u32 $0x14000, s6;
	s4 =	ssub.s32 $0x2, s4;
	s7 =	sshll.u32 s5, $0x7  }
0x6: {  	[smem:$0x7FF] =	sst s2;
	s5 =	smul.u32 $0x4E2, s5;
	s7 =	sand.u32 $0x380, s7  }
0x7: {  	s31 =	sshrl.u32 s4, $0x1;
	_ =	strace $0x80000047;
	s6 =	sor.u32 s6, s7  }
0x8: {  	s5 =	sadd.s32 s5, s3;
	s7 =	ssub.s32 s4, s31;
	s6 =	sshrl.u32 s6, $0x3  }
0x9: {  	s6 =	sadd.s32 s6, s3;
	s3 =	sadd.s32 $0x2400, s5;
	s5 =	smax.u32 s7, $0x1  }
0xa: {  	v0 =	vimm.f32 $0.0e+00;
	v1 =	vimm.f32 $1.000000000e+00;
	s7 =	simm.s32 $0x2780;
	s4 =	sadd.s32 $0x16000, s6;
	s6 =	simm.s32 $0x1  }
.LBB2_1:
0xb: {  	s10 =	simm.s32 $0x40;
	s11 =	simm.s32 $0x0  }
.LBB2_2:
0xc: {  	p0 =	sne.s32 s10, $0x9FC0;
	[tilespmem:s11+$0x2780] =	vst v0;
	s11 =	smov.u32 s10;
	s10 =	sadd.s32 $0x40, s10  }
.Ltmp0:
0xd: {  	(pc) =	sbr.rel @p0 .LBB2_2-.Ltmp0, $2  }
0xe: {  	_ =	sdelay $0x2  }
0xf: {  	s11 =	sshra.s32 s11, $0x2  }
0x10: {  	[tilespmem:s11+$0x2780] =	vst v0;
	s10 =	simm.s32 $0x0  }
0x11: {  	[tilespmem:s10], [sflag:$0x1] =	stream.linear.gather [hbm4b:s3+s10], $0x2710, $0x38;
	[tilespmem:$0x4F80] =	vst v63  }
0x12: {  	_ =	swait.ge [sflag:s6], $0x2710  }
0x13: {  	[sflag:s6] =	ssyncset.done $0x0  }
0x14: {  	s11 =	simm.s32 $0x0;
	s10 =	simm.s32 $0x40;
	[sflag:s6] =	ssyncadd.s32 $0xFFFFD8F0  }
.LBB2_4:
0x15: {  	p0 =	sne.s32 s10, $0x9C00;
	v2 =	vld [tilespmem:s11+$0x0];
	_ =	sdelay $0x3  }
.Ltmp1:
0x16: {  	(pc) =	sbr.rel @p0 .LBB2_4-.Ltmp1, $2  }
0x17: {  	_ =	sdelay $0x2  }
0x18: {  	s11 =	sshra.s32 s10, $0x2;
	s10 =	sadd.s32 $0x40, s10;
	[tilespmem:v2+s7+$0x0] =	vst.idx.add.f32.msk $0xffff, v1  }
0x19: {  	v2 =	vld [tilespmem:s11+$0x0];
	_ =	sdelay $0x5  }
0x1a: {  	s2 =	sadd.s32 $0x1, s2  }
0x1b: {  	p0 =	sne.s32 s2, s5  }
.Ltmp2:
0x1c: {  	[tilespmem:v2+s7+$0x0] =	vst.idx.add.f32.msk $0xffff, v1;
	(pc) =	sbr.rel @p0 .LBB2_1-.Ltmp2, $4  }
0x1d: {  	[hbm4b:s4+s8] =	stream.strided.scatter [tilespmem:s7], [sflag:$0x1], $0x2800, s9, s8, $0x38;
	[tilespmem:$0x4F80] =	vst v63  }
0x1e: {  	_ =	swait.ge [sflag:s6], $0x2800  }
0x1f: {  	[sflag:s6] =	ssyncset.done $0x0  }
0x20: {  	[sflag:s6] =	ssyncadd.s32 $0xFFFFD800  }
0x21: {  	_ =	sfence.sel $0x180000  }
0x22: {  	[bflag:$0x0] =	sbarrier.arrive $0xFFFF  }
0x23: {  	p0 =	sne.s32 s0, $0x0;
	_ =	strace $0x90000047  }
0x24: {  	s0 =	sadd.s32 @!p0 $0x100000, s1;
	[bflag:$0x2] =	sbarrier.arrive $0xFFFF  }
0x25: {  	[sflag:s0] =	ssyncadd.tile.s32 @!p0 $0x1;
	_ =	shalt  }
.Lfunc_end2:
_tile_overlayer_lowered:
.L_overlay_start_2:
0x26: {  	(tag) =	ssettag $0x2  }
0x27: {  	s0 =	rddreg [dreg:$0x0];
	s2 =	stileid.u32  }
0x28: {  	s1 =	rddreg [dreg:$0x1];
	p0 =	sne.s32 s2, $0x0  }
0x29: {  	s3 =	rddreg [dreg:$0x2];
	[bflag:$0x3] =	sbarrier.arrive $0xFFFF;
	s2 =	simm.s32 @!p0 $0x1C01  }
0x2a: {  	[timem:s3], [sflag:s2] =	dma.local @!p0 [hbm:s0], s1  }
0x2b: {  	s0 =	simm.s32 @!p0 $0x1  }
0x2c: {  	_ =	swait.ge @!p0 [sflag:s0], s1  }
0x2d: {  	s1 =	ssub.s32 @!p0 $0x0, s1;
	[sflag:s0] =	ssyncset.done @!p0 $0x0  }
0x2e: {  	[sflag:s0] =	ssyncadd.s32 @!p0 s1  }
0x2f: {  	[bflag:$0x3] =	sbarrier.arrive $0xFFFF  }
0x30: {  	_ =	shalt  }

</sc_bundles>
